<compile_context>
chip_gen: v7x
topology: tpu7x:2x2x1
jax: 0.10.2.dev20260603
libtpu: 0.0.44.dev20260713+nightly
codegen_flags: <defaults>
</compile_context>

<pallas_src>
import jax
import jax.numpy as jnp
from jax import lax
from jax.experimental import pallas as pl
from jax.experimental.pallas import tpu as pltpu
from jax.experimental.pallas import tpu_sc as plsc

S = 4096
SYM = 256
T = 256
NS = 16
SRC = S // NS
L = 16
PW = SRC * SYM // 2


def _fuzzy_body(sym_hbm, dfa_hbm, out_hbm,
                dfa_v, sym_v, st_v, acc_v, red_v, part_sh):
    sid = lax.axis_index("s")
    base = sid * SRC

    pltpu.sync_copy(dfa_hbm.at[pl.ds(sid * PW, PW)], dfa_v)
    pltpu.sync_copy(sym_hbm, sym_v)

    def zero_state(i, c):
        st_v[pl.ds(i * L, L)] = jnp.zeros((L,), jnp.float32)
        return c
    lax.fori_loop(0, SRC // L, zero_state, None)

    @pl.when(sid == 0)
    def _():
        lane = lax.iota(jnp.int32, L)
        st_v[pl.ds(0, L)] = jnp.where(lane == 0,
                                      jnp.float32(1.0), jnp.float32(0.0))

    @plsc.parallel_loop(0, S // L, unroll=8)
    def zero_acc0(i):
        acc_v[pl.ds(i * L, L)] = jnp.zeros((L,), jnp.float32)

    plsc.subcore_barrier()

    def step(t, carry):
        avec = [sym_v[t, pl.ds(k * L, L)] for k in range(SYM // L)]

        @plsc.parallel_loop(0, SRC)
        def src_body(s):
            grp = (s // L) * L
            lane = s - grp
            sv = st_v[pl.ds(grp, L)]
            splat = jnp.take_along_axis(sv, jnp.broadcast_to(lane, (L,)),
                                        axis=0)
            off = s * (SYM // 2)
            for k in range(SYM // (2 * L)):
                pair = dfa_v[pl.ds(off + k * L, L)]
                lo = pair & jnp.int32(0xFFFF)
                hi = lax.shift_right_logical(pair, jnp.int32(16))
                plsc.addupdate_scatter(acc_v, [lo], splat * avec[2 * k])
                plsc.addupdate_scatter(acc_v, [hi], splat * avec[2 * k + 1])

        parity = lax.bitwise_and(t, 1)
        pltpu.sync_copy(acc_v, part_sh.at[parity, sid])

        @plsc.parallel_loop(0, S // L, unroll=8)
        def zero_acc(i):
            acc_v[pl.ds(i * L, L)] = jnp.zeros((L,), jnp.float32)

        plsc.subcore_barrier()
        pltpu.sync_copy(part_sh.at[parity, :, pl.ds(base, SRC)], red_v)

        @plsc.parallel_loop(0, SRC // L)
        def red_body(i):
            tot = red_v[0, pl.ds(i * L, L)]
            for r in range(1, NS):
                tot = tot + red_v[r, pl.ds(i * L, L)]
            st_v[pl.ds(i * L, L)] = tot
        return carry

    lax.fori_loop(0, T, step, None)

    pltpu.sync_copy(st_v, out_hbm.at[pl.ds(base, SRC)])


@jax.jit
def kernel(symbols_prob, dfa_table):
    d = dfa_table.astype(jnp.uint32).reshape(S, SYM // (2 * L), 2, L)
    dfa_packed = (d[:, :, 0, :] | (d[:, :, 1, :] << 16)).astype(
        jnp.int32).reshape(-1)
    mesh = plsc.VectorSubcoreMesh(core_axis_name="c", subcore_axis_name="s",
                                  num_cores=1, num_subcores=NS)
    run = pl.kernel(
        _fuzzy_body,
        out_type=jax.ShapeDtypeStruct((S,), jnp.float32),
        mesh=mesh,
        compiler_params=pltpu.CompilerParams(needs_layout_passes=False),
        scratch_types=[
            pltpu.VMEM((PW,), jnp.int32),
            pltpu.VMEM((T, SYM), jnp.float32),
            pltpu.VMEM((SRC,), jnp.float32),
            pltpu.VMEM((S,), jnp.float32),
            pltpu.VMEM((NS, SRC), jnp.float32),
            pltpu.VMEM_SHARED((2, NS, S), jnp.float32),
        ],
    )
    return run(symbols_prob, dfa_packed)

# --- scband reference (transcript-rebuilt; emitter-appended) ---
"""Pipeline reference for scband-fuzzy-automa-8186207666311 (READ-ONLY COPY).

The authoritative reference and input builder live on the scoring server;
editing this copy changes nothing except your own understanding.
"""

import jax, jax.numpy as jnp
import numpy as np

S = 4096       # numb_of_states
SYM = 256      # numb_of_symbols
T = 256        # sequence length of symbol probability vectors


def setup_inputs(seed: int = 0) -> dict:
    key = jax.random.key(seed)
    k1, k2 = jax.random.split(key)
    # symbols_prob: per-step fuzzy membership over symbols (normalized uniform)
    sp = jax.random.uniform(k1, (T, SYM), dtype=jnp.float32)
    symbols_prob = sp / jnp.sum(sp, axis=-1, keepdims=True)
    # reduced_dfa materialized as a dense transition table: dfa_table[s, sym] = next state
    # (equivalent to the nested dict {s: {sym: next_state}} in the torch module)
    dfa_table = jax.random.randint(k2, (S, SYM), 0, S, dtype=jnp.int32)
    return {"symbols_prob": symbols_prob, "dfa_table": dfa_table}


def reference(symbols_prob, dfa_table):
    S_ = dfa_table.shape[0]
    dfa_flat = dfa_table.reshape(-1)  # int32[S*SYM]
    # initial crisp state: s[0] = 1.0
    s0 = jnp.zeros((S_,), dtype=symbols_prob.dtype).at[0].set(1.0)

    def step(state, action):
        # conjunction(state[s], action[sym]) = product t-norm, for every (s, sym) pair
        contrib = (state[:, None] * action[None, :]).reshape(-1)  # float32[S*SYM]
        # nxt_stt[dfa[s][sym]] += conjunction(...)  -> scatter-add / segment_sum
        nxt = jax.ops.segment_sum(contrib, dfa_flat, num_segments=S_)
        return nxt, None

    final_state, _ = jax.lax.scan(step, s0, symbols_prob)
    return final_state

if __name__ == "__main__":
    import jax
    _d = setup_inputs()
    print(jax.jit(kernel)(*tuple(_d.values())))

</pallas_src>

<mosaic_0001>
#map = affine_map<(d0, d1) -> (0, 0)>
#map1 = affine_map<(d0, d1) -> (0)>
module attributes {stable_mosaic.version = 14 : i64} {
  func.func @_fuzzy_body(%arg0: i32, %arg1: i32, %arg2: memref<256x256xf32, #tpu.memory_space<hbm>>, %arg3: memref<524288xi32, #tpu.memory_space<hbm>>, %arg4: memref<4096xf32, #tpu.memory_space<hbm>>, %arg5: memref<32768xi32, #tpu.memory_space<vmem>>, %arg6: memref<256x256xf32, #tpu.memory_space<vmem>>, %arg7: memref<256xf32, #tpu.memory_space<vmem>>, %arg8: memref<4096xf32, #tpu.memory_space<vmem>>, %arg9: memref<16x256xf32, #tpu.memory_space<vmem>>, %arg10: memref<2x16x4096xf32, #tpu.memory_space<vmem_shared>>) attributes {dimension_semantics = [#tpu.dimension_semantics<core_parallel>, #tpu.dimension_semantics<subcore_parallel>], iteration_bounds = array<i64: 1, 16>, scalar_prefetch = 0 : i64, scratch_operands = 6 : i64, tpu.core_type = #tpu.core_type<sc_vector_subcore>, window_params = [{transform_indices = #map}, {transform_indices = #map1}, {transform_indices = #map1}]} {
    %mul3A = arith.constant 256 : i32
    %mul3A_0 = arith.muli %arg1, %mul3A : i32
    %mul3A_1 = arith.constant 32768 : i32
    %mul3A_2 = arith.muli %arg1, %mul3A_1 : i32
    "tpu.region"() ({
      %run_scoped3A = tpu.sem_alloc : memref<!tpu.dma_semaphore, #tpu.memory_space<semaphore_mem>>
      %dma_start3A = tpu.memref_slice %arg3[%mul3A_2] : memref<524288xi32, #tpu.memory_space<hbm>> -> memref<32768xi32, #tpu.memory_space<hbm>>
      %dma_start3A_16 = tpu.memref_slice %arg3[%mul3A_2] : memref<524288xi32, #tpu.memory_space<hbm>> -> memref<32768xi32, #tpu.memory_space<hbm>>
      tpu.enqueue_dma source(%dma_start3A_16 : memref<32768xi32, #tpu.memory_space<hbm>>) target(%arg5 : memref<32768xi32, #tpu.memory_space<vmem>>) target_semaphore(%run_scoped3A : memref<!tpu.dma_semaphore, #tpu.memory_space<semaphore_mem>>)
      %dma_wait3A = tpu.memref_slice %arg3[%mul3A_2] : memref<524288xi32, #tpu.memory_space<hbm>> -> memref<32768xi32, #tpu.memory_space<hbm>>
      %dma_wait3A_17 = tpu.memref_slice %arg3[%mul3A_2] : memref<524288xi32, #tpu.memory_space<hbm>> -> memref<32768xi32, #tpu.memory_space<hbm>>
      tpu.wait_dma2 semaphore(%run_scoped3A : memref<!tpu.dma_semaphore, #tpu.memory_space<semaphore_mem>>) src(%dma_wait3A_17 : memref<32768xi32, #tpu.memory_space<hbm>>) dst(%arg5 : memref<32768xi32, #tpu.memory_space<vmem>>)
      tpu.yield
    }) : () -> ()
    "tpu.region"() ({
      %run_scoped3A = tpu.sem_alloc : memref<!tpu.dma_semaphore, #tpu.memory_space<semaphore_mem>>
      tpu.enqueue_dma source(%arg2 : memref<256x256xf32, #tpu.memory_space<hbm>>) target(%arg6 : memref<256x256xf32, #tpu.memory_space<vmem>>) target_semaphore(%run_scoped3A : memref<!tpu.dma_semaphore, #tpu.memory_space<semaphore_mem>>)
      tpu.wait_dma2 semaphore(%run_scoped3A : memref<!tpu.dma_semaphore, #tpu.memory_space<semaphore_mem>>) src(%arg2 : memref<256x256xf32, #tpu.memory_space<hbm>>) dst(%arg6 : memref<256x256xf32, #tpu.memory_space<vmem>>)
      tpu.yield
    }) : () -> ()
    %scan3A = arith.constant 0 : i32
    %scan3A_3 = arith.constant 16 : i32
    %scan3A_4 = arith.addi %scan3A, %scan3A_3 : i32
    %scan3A_5 = arith.constant 1 : i32
    scf.for %scan3A_16 = %scan3A to %scan3A_4 step %scan3A_5  : i32 {
      %broadcast_in_dim3A = arith.constant 0.000000e+00 : f32
      %broadcast_in_dim3A_17 = vector.broadcast %broadcast_in_dim3A : f32 to vector<16xf32>
      %mul3A_18 = arith.constant 16 : i32
      %mul3A_19 = arith.muli %scan3A_16, %mul3A_18 : i32
      %swap3A = arith.index_cast %mul3A_19 : i32 to index
      %swap3A_20 = tpu.vector_load %arg7[%swap3A] {strides = array<i32>} : memref<256xf32, #tpu.memory_space<vmem>>, vector<16xf32>,
      tpu.vector_store %arg7[%swap3A], %broadcast_in_dim3A_17 {strides = array<i32>} : memref<256xf32, #tpu.memory_space<vmem>>, vector<16xf32>,
    }
    %scan3A_6 = arith.constant 16 : i32
    %eq3A = arith.constant 0 : i32
    %eq3A_7 = arith.cmpi eq, %arg1, %eq3A : i32
    %convert_element_type3A = arith.extui %eq3A_7 : i1 to i32
    %cond3A = arith.constant 0 : i32
    %cond3A_8 = arith.cmpi ne, %convert_element_type3A, %cond3A : i32
    scf.if %cond3A_8 {
      %iota3A = tpu.iota {dimensions = array<i32: 0>} : vector<16xi32>
      %eq3A_16 = arith.constant 0 : i32
      %eq3A_17 = vector.broadcast %eq3A_16 : i32 to vector<16xi32>
      %eq3A_18 = arith.cmpi eq, %iota3A, %eq3A_17 : vector<16xi32>
      %jit3A = arith.constant 1.000000e+00 : f32
      %jit3A_19 = arith.constant 0.000000e+00 : f32
      %broadcast_in_dim3A = vector.broadcast %jit3A : f32 to vector<16xf32>
      %broadcast_in_dim3A_20 = vector.broadcast %jit3A_19 : f32 to vector<16xf32>
      %select_n3A = arith.select %eq3A_18, %broadcast_in_dim3A, %broadcast_in_dim3A_20 : vector<16xi1>, vector<16xf32>
      %swap3A = arith.constant 0 : index
      %swap3A_21 = tpu.vector_load %arg7[%swap3A] {strides = array<i32>} : memref<256xf32, #tpu.memory_space<vmem>>, vector<16xf32>,
      tpu.vector_store %arg7[%swap3A], %select_n3A {strides = array<i32>} : memref<256xf32, #tpu.memory_space<vmem>>, vector<16xf32>,
    } else {
    }
    %parallel_loop3A = arith.constant 0 : i32
    %parallel_loop3A_9 = arith.constant 256 : i32
    %parallel_loop3A_10 = arith.constant 1 : i32
    scf.for %parallel_loop3A_16 = %parallel_loop3A to %parallel_loop3A_9 step %parallel_loop3A_10  : i32 {
      %parallel_loop3A_17 = arith.constant 0.000000e+00 : f32
      %parallel_loop3A_18 = vector.broadcast %parallel_loop3A_17 : f32 to vector<16xf32>
      %parallel_loop3A_19 = arith.constant 16 : i32
      %parallel_loop3A_20 = arith.muli %parallel_loop3A_16, %parallel_loop3A_19 : i32
      %parallel_loop3A_21 = arith.index_cast %parallel_loop3A_20 : i32 to index
      %parallel_loop3A_22 = tpu.vector_load %arg8[%parallel_loop3A_21] {strides = array<i32>} : memref<4096xf32, #tpu.memory_space<vmem>>, vector<16xf32>,
      tpu.vector_store %arg8[%parallel_loop3A_21], %parallel_loop3A_18 {strides = array<i32>} : memref<4096xf32, #tpu.memory_space<vmem>>, vector<16xf32>,
    } {sc.loop_unroll_factor = 8 : i64, sc.parallel_access}
    %barrier3A = arith.constant 0 : index
    tpu.barrier barrier_id(%barrier3A)
    %scan3A_11 = arith.constant 0 : i32
    %scan3A_12 = arith.constant 256 : i32
    %scan3A_13 = arith.addi %scan3A_11, %scan3A_12 : i32
    %scan3A_14 = arith.constant 1 : i32
    scf.for %scan3A_16 = %scan3A_11 to %scan3A_13 step %scan3A_14  : i32 {
      %get3A = arith.index_cast %scan3A_16 : i32 to index
      %get3A_17 = arith.constant 0 : index
      %get3A_18 = tpu.vector_load %arg6[%get3A, %get3A_17] {strides = array<i32>} : memref<256x256xf32, #tpu.memory_space<vmem>>, vector<16xf32>,
      %get3A_19 = arith.index_cast %scan3A_16 : i32 to index
      %get3A_20 = arith.constant 16 : index
      %get3A_21 = tpu.vector_load %arg6[%get3A_19, %get3A_20] {strides = array<i32>} : memref<256x256xf32, #tpu.memory_space<vmem>>, vector<16xf32>,
      %get3A_22 = arith.index_cast %scan3A_16 : i32 to index
      %get3A_23 = arith.constant 32 : index
      %get3A_24 = tpu.vector_load %arg6[%get3A_22, %get3A_23] {strides = array<i32>} : memref<256x256xf32, #tpu.memory_space<vmem>>, vector<16xf32>,
      %get3A_25 = arith.index_cast %scan3A_16 : i32 to index
      %get3A_26 = arith.constant 48 : index
      %get3A_27 = tpu.vector_load %arg6[%get3A_25, %get3A_26] {strides = array<i32>} : memref<256x256xf32, #tpu.memory_space<vmem>>, vector<16xf32>,
      %get3A_28 = arith.index_cast %scan3A_16 : i32 to index
      %get3A_29 = arith.constant 64 : index
      %get3A_30 = tpu.vector_load %arg6[%get3A_28, %get3A_29] {strides = array<i32>} : memref<256x256xf32, #tpu.memory_space<vmem>>, vector<16xf32>,
      %get3A_31 = arith.index_cast %scan3A_16 : i32 to index
      %get3A_32 = arith.constant 80 : index
      %get3A_33 = tpu.vector_load %arg6[%get3A_31, %get3A_32] {strides = array<i32>} : memref<256x256xf32, #tpu.memory_space<vmem>>, vector<16xf32>,
      %get3A_34 = arith.index_cast %scan3A_16 : i32 to index
      %get3A_35 = arith.constant 96 : index
      %get3A_36 = tpu.vector_load %arg6[%get3A_34, %get3A_35] {strides = array<i32>} : memref<256x256xf32, #tpu.memory_space<vmem>>, vector<16xf32>,
      %get3A_37 = arith.index_cast %scan3A_16 : i32 to index
      %get3A_38 = arith.constant 112 : index
      %get3A_39 = tpu.vector_load %arg6[%get3A_37, %get3A_38] {strides = array<i32>} : memref<256x256xf32, #tpu.memory_space<vmem>>, vector<16xf32>,
      %get3A_40 = arith.index_cast %scan3A_16 : i32 to index
      %get3A_41 = arith.constant 128 : index
      %get3A_42 = tpu.vector_load %arg6[%get3A_40, %get3A_41] {strides = array<i32>} : memref<256x256xf32, #tpu.memory_space<vmem>>, vector<16xf32>,
      %get3A_43 = arith.index_cast %scan3A_16 : i32 to index
      %get3A_44 = arith.constant 144 : index
      %get3A_45 = tpu.vector_load %arg6[%get3A_43, %get3A_44] {strides = array<i32>} : memref<256x256xf32, #tpu.memory_space<vmem>>, vector<16xf32>,
      %get3A_46 = arith.index_cast %scan3A_16 : i32 to index
      %get3A_47 = arith.constant 160 : index
      %get3A_48 = tpu.vector_load %arg6[%get3A_46, %get3A_47] {strides = array<i32>} : memref<256x256xf32, #tpu.memory_space<vmem>>, vector<16xf32>,
      %get3A_49 = arith.index_cast %scan3A_16 : i32 to index
      %get3A_50 = arith.constant 176 : index
      %get3A_51 = tpu.vector_load %arg6[%get3A_49, %get3A_50] {strides = array<i32>} : memref<256x256xf32, #tpu.memory_space<vmem>>, vector<16xf32>,
      %get3A_52 = arith.index_cast %scan3A_16 : i32 to index
      %get3A_53 = arith.constant 192 : index
      %get3A_54 = tpu.vector_load %arg6[%get3A_52, %get3A_53] {strides = array<i32>} : memref<256x256xf32, #tpu.memory_space<vmem>>, vector<16xf32>,
      %get3A_55 = arith.index_cast %scan3A_16 : i32 to index
      %get3A_56 = arith.constant 208 : index
      %get3A_57 = tpu.vector_load %arg6[%get3A_55, %get3A_56] {strides = array<i32>} : memref<256x256xf32, #tpu.memory_space<vmem>>, vector<16xf32>,
      %get3A_58 = arith.index_cast %scan3A_16 : i32 to index
      %get3A_59 = arith.constant 224 : index
      %get3A_60 = tpu.vector_load %arg6[%get3A_58, %get3A_59] {strides = array<i32>} : memref<256x256xf32, #tpu.memory_space<vmem>>, vector<16xf32>,
      %get3A_61 = arith.index_cast %scan3A_16 : i32 to index
      %get3A_62 = arith.constant 240 : index
      %get3A_63 = tpu.vector_load %arg6[%get3A_61, %get3A_62] {strides = array<i32>} : memref<256x256xf32, #tpu.memory_space<vmem>>, vector<16xf32>,
      %parallel_loop3A_64 = arith.constant 0 : i32
      %parallel_loop3A_65 = arith.constant 256 : i32
      %parallel_loop3A_66 = arith.constant 1 : i32
      scf.for %parallel_loop3A_75 = %parallel_loop3A_64 to %parallel_loop3A_65 step %parallel_loop3A_66  : i32 {
        %parallel_loop3A_76 = arith.constant 16 : i32
        %parallel_loop3A_77 = arith.divsi %parallel_loop3A_75, %parallel_loop3A_76 : i32
        %parallel_loop3A_78 = arith.constant 0 : i32
        %parallel_loop3A_79 = arith.cmpi sgt, %parallel_loop3A_75, %parallel_loop3A_78 : i32
        %parallel_loop3A_80 = arith.extui %parallel_loop3A_79 : i1 to i32
        %parallel_loop3A_81 = arith.constant 0 : i32
        %parallel_loop3A_82 = arith.cmpi slt, %parallel_loop3A_75, %parallel_loop3A_81 : i32
        %parallel_loop3A_83 = arith.extui %parallel_loop3A_82 : i1 to i32
        %parallel_loop3A_84 = arith.subi %parallel_loop3A_80, %parallel_loop3A_83 : i32
        %parallel_loop3A_85 = arith.constant 0 : i32
        %parallel_loop3A_86 = arith.cmpi sgt, %parallel_loop3A_76, %parallel_loop3A_85 : i32
        %parallel_loop3A_87 = arith.extui %parallel_loop3A_86 : i1 to i32
        %parallel_loop3A_88 = arith.constant 0 : i32
        %parallel_loop3A_89 = arith.cmpi slt, %parallel_loop3A_76, %parallel_loop3A_88 : i32
        %parallel_loop3A_90 = arith.extui %parallel_loop3A_89 : i1 to i32
        %parallel_loop3A_91 = arith.subi %parallel_loop3A_87, %parallel_loop3A_90 : i32
        %parallel_loop3A_92 = arith.cmpi ne, %parallel_loop3A_84, %parallel_loop3A_91 : i32
        %parallel_loop3A_93 = arith.remsi %parallel_loop3A_75, %parallel_loop3A_76 : i32
        %parallel_loop3A_94 = arith.constant 0 : i32
        %parallel_loop3A_95 = arith.cmpi ne, %parallel_loop3A_93, %parallel_loop3A_94 : i32
        %parallel_loop3A_96 = arith.andi %parallel_loop3A_92, %parallel_loop3A_95 : i1
        %parallel_loop3A_97 = arith.constant 1 : i32
        %parallel_loop3A_98 = arith.subi %parallel_loop3A_77, %parallel_loop3A_97 : i32
        %parallel_loop3A_99 = arith.select %parallel_loop3A_96, %parallel_loop3A_98, %parallel_loop3A_77 : i32
        %parallel_loop3A_100 = arith.constant 16 : i32
        %parallel_loop3A_101 = arith.muli %parallel_loop3A_99, %parallel_loop3A_100 : i32
        %parallel_loop3A_102 = arith.subi %parallel_loop3A_75, %parallel_loop3A_101 : i32
        %parallel_loop3A_103 = arith.index_cast %parallel_loop3A_101 : i32 to index
        %parallel_loop3A_104 = tpu.vector_load %arg7[%parallel_loop3A_103] {strides = array<i32>} : memref<256xf32, #tpu.memory_space<vmem>>, vector<16xf32>,
        %parallel_loop3A_105 = vector.broadcast %parallel_loop3A_102 : i32 to vector<16xi32>
        %parallel_loop3A_106 = arith.constant 0 : i32
        %parallel_loop3A_107 = vector.broadcast %parallel_loop3A_106 : i32 to vector<16xi32>
        %parallel_loop3A_108 = arith.cmpi slt, %parallel_loop3A_105, %parallel_loop3A_107 : vector<16xi32>
        %parallel_loop3A_109 = arith.constant 16 : i32
        %parallel_loop3A_110 = vector.broadcast %parallel_loop3A_109 : i32 to vector<16xi32>
        %parallel_loop3A_111 = arith.addi %parallel_loop3A_105, %parallel_loop3A_110 : vector<16xi32>
        %parallel_loop3A_112 = arith.select %parallel_loop3A_108, %parallel_loop3A_111, %parallel_loop3A_105 : vector<16xi1>, vector<16xi32>
        %parallel_loop3A_113 = vector.shape_cast %parallel_loop3A_112 : vector<16xi32> to vector<16x1xi32>
        %parallel_loop3A_114 = vector.shape_cast %parallel_loop3A_113 : vector<16x1xi32> to vector<16xi32>
        %parallel_loop3A_115 = tpu.dynamic_gather %parallel_loop3A_104[%parallel_loop3A_114] in [0] : vector<16xf32>, vector<16xi32> -> vector<16xf32>
        %parallel_loop3A_116 = arith.constant 128 : i32
        %parallel_loop3A_117 = arith.muli %parallel_loop3A_75, %parallel_loop3A_116 : i32
        %parallel_loop3A_118 = arith.constant 0 : i32
        %parallel_loop3A_119 = arith.addi %parallel_loop3A_117, %parallel_loop3A_118 : i32
        %parallel_loop3A_120 = arith.index_cast %parallel_loop3A_119 : i32 to index
        %parallel_loop3A_121 = tpu.vector_load %arg5[%parallel_loop3A_120] {strides = array<i32>} : memref<32768xi32, #tpu.memory_space<vmem>>, vector<16xi32>,
        %parallel_loop3A_122 = arith.constant 65535 : i32
        %parallel_loop3A_123 = vector.broadcast %parallel_loop3A_122 : i32 to vector<16xi32>
        %parallel_loop3A_124 = arith.andi %parallel_loop3A_121, %parallel_loop3A_123 : vector<16xi32>
        %parallel_loop3A_125 = arith.constant 16 : i32
        %parallel_loop3A_126 = vector.broadcast %parallel_loop3A_125 : i32 to vector<16xi32>
        %parallel_loop3A_127 = arith.shrui %parallel_loop3A_121, %parallel_loop3A_126 : vector<16xi32>
        %parallel_loop3A_128 = arith.mulf %parallel_loop3A_115, %get3A_18 : vector<16xf32>
        tpu.vector_store_idx %arg8[%parallel_loop3A_124], %parallel_loop3A_128 {add = true} : memref<4096xf32, #tpu.memory_space<vmem>>[vector<16xi32>], vector<16xf32>,
        %parallel_loop3A_129 = arith.mulf %parallel_loop3A_115, %get3A_21 : vector<16xf32>
        tpu.vector_store_idx %arg8[%parallel_loop3A_127], %parallel_loop3A_129 {add = true} : memref<4096xf32, #tpu.memory_space<vmem>>[vector<16xi32>], vector<16xf32>,
        %parallel_loop3A_130 = arith.constant 16 : i32
        %parallel_loop3A_131 = arith.addi %parallel_loop3A_117, %parallel_loop3A_130 : i32
        %parallel_loop3A_132 = arith.index_cast %parallel_loop3A_131 : i32 to index
        %parallel_loop3A_133 = tpu.vector_load %arg5[%parallel_loop3A_132] {strides = array<i32>} : memref<32768xi32, #tpu.memory_space<vmem>>, vector<16xi32>,
        %parallel_loop3A_134 = arith.constant 65535 : i32
        %parallel_loop3A_135 = vector.broadcast %parallel_loop3A_134 : i32 to vector<16xi32>
        %parallel_loop3A_136 = arith.andi %parallel_loop3A_133, %parallel_loop3A_135 : vector<16xi32>
        %parallel_loop3A_137 = arith.constant 16 : i32
        %parallel_loop3A_138 = vector.broadcast %parallel_loop3A_137 : i32 to vector<16xi32>
        %parallel_loop3A_139 = arith.shrui %parallel_loop3A_133, %parallel_loop3A_138 : vector<16xi32>
        %parallel_loop3A_140 = arith.mulf %parallel_loop3A_115, %get3A_24 : vector<16xf32>
        tpu.vector_store_idx %arg8[%parallel_loop3A_136], %parallel_loop3A_140 {add = true} : memref<4096xf32, #tpu.memory_space<vmem>>[vector<16xi32>], vector<16xf32>,
        %parallel_loop3A_141 = arith.mulf %parallel_loop3A_115, %get3A_27 : vector<16xf32>
        tpu.vector_store_idx %arg8[%parallel_loop3A_139], %parallel_loop3A_141 {add = true} : memref<4096xf32, #tpu.memory_space<vmem>>[vector<16xi32>], vector<16xf32>,
        %parallel_loop3A_142 = arith.constant 32 : i32
        %parallel_loop3A_143 = arith.addi %parallel_loop3A_117, %parallel_loop3A_142 : i32
        %parallel_loop3A_144 = arith.index_cast %parallel_loop3A_143 : i32 to index
        %parallel_loop3A_145 = tpu.vector_load %arg5[%parallel_loop3A_144] {strides = array<i32>} : memref<32768xi32, #tpu.memory_space<vmem>>, vector<16xi32>,
        %parallel_loop3A_146 = arith.constant 65535 : i32
        %parallel_loop3A_147 = vector.broadcast %parallel_loop3A_146 : i32 to vector<16xi32>
        %parallel_loop3A_148 = arith.andi %parallel_loop3A_145, %parallel_loop3A_147 : vector<16xi32>
        %parallel_loop3A_149 = arith.constant 16 : i32
        %parallel_loop3A_150 = vector.broadcast %parallel_loop3A_149 : i32 to vector<16xi32>
        %parallel_loop3A_151 = arith.shrui %parallel_loop3A_145, %parallel_loop3A_150 : vector<16xi32>
        %parallel_loop3A_152 = arith.mulf %parallel_loop3A_115, %get3A_30 : vector<16xf32>
        tpu.vector_store_idx %arg8[%parallel_loop3A_148], %parallel_loop3A_152 {add = true} : memref<4096xf32, #tpu.memory_space<vmem>>[vector<16xi32>], vector<16xf32>,
        %parallel_loop3A_153 = arith.mulf %parallel_loop3A_115, %get3A_33 : vector<16xf32>
        tpu.vector_store_idx %arg8[%parallel_loop3A_151], %parallel_loop3A_153 {add = true} : memref<4096xf32, #tpu.memory_space<vmem>>[vector<16xi32>], vector<16xf32>,
        %parallel_loop3A_154 = arith.constant 48 : i32
        %parallel_loop3A_155 = arith.addi %parallel_loop3A_117, %parallel_loop3A_154 : i32
        %parallel_loop3A_156 = arith.index_cast %parallel_loop3A_155 : i32 to index
        %parallel_loop3A_157 = tpu.vector_load %arg5[%parallel_loop3A_156] {strides = array<i32>} : memref<32768xi32, #tpu.memory_space<vmem>>, vector<16xi32>,
        %parallel_loop3A_158 = arith.constant 65535 : i32
        %parallel_loop3A_159 = vector.broadcast %parallel_loop3A_158 : i32 to vector<16xi32>
        %parallel_loop3A_160 = arith.andi %parallel_loop3A_157, %parallel_loop3A_159 : vector<16xi32>
        %parallel_loop3A_161 = arith.constant 16 : i32
        %parallel_loop3A_162 = vector.broadcast %parallel_loop3A_161 : i32 to vector<16xi32>
        %parallel_loop3A_163 = arith.shrui %parallel_loop3A_157, %parallel_loop3A_162 : vector<16xi32>
        %parallel_loop3A_164 = arith.mulf %parallel_loop3A_115, %get3A_36 : vector<16xf32>
        tpu.vector_store_idx %arg8[%parallel_loop3A_160], %parallel_loop3A_164 {add = true} : memref<4096xf32, #tpu.memory_space<vmem>>[vector<16xi32>], vector<16xf32>,
        %parallel_loop3A_165 = arith.mulf %parallel_loop3A_115, %get3A_39 : vector<16xf32>
        tpu.vector_store_idx %arg8[%parallel_loop3A_163], %parallel_loop3A_165 {add = true} : memref<4096xf32, #tpu.memory_space<vmem>>[vector<16xi32>], vector<16xf32>,
        %parallel_loop3A_166 = arith.constant 64 : i32
        %parallel_loop3A_167 = arith.addi %parallel_loop3A_117, %parallel_loop3A_166 : i32
        %parallel_loop3A_168 = arith.index_cast %parallel_loop3A_167 : i32 to index
        %parallel_loop3A_169 = tpu.vector_load %arg5[%parallel_loop3A_168] {strides = array<i32>} : memref<32768xi32, #tpu.memory_space<vmem>>, vector<16xi32>,
        %parallel_loop3A_170 = arith.constant 65535 : i32
        %parallel_loop3A_171 = vector.broadcast %parallel_loop3A_170 : i32 to vector<16xi32>
        %parallel_loop3A_172 = arith.andi %parallel_loop3A_169, %parallel_loop3A_171 : vector<16xi32>
        %parallel_loop3A_173 = arith.constant 16 : i32
        %parallel_loop3A_174 = vector.broadcast %parallel_loop3A_173 : i32 to vector<16xi32>
        %parallel_loop3A_175 = arith.shrui %parallel_loop3A_169, %parallel_loop3A_174 : vector<16xi32>
        %parallel_loop3A_176 = arith.mulf %parallel_loop3A_115, %get3A_42 : vector<16xf32>
        tpu.vector_store_idx %arg8[%parallel_loop3A_172], %parallel_loop3A_176 {add = true} : memref<4096xf32, #tpu.memory_space<vmem>>[vector<16xi32>], vector<16xf32>,
        %parallel_loop3A_177 = arith.mulf %parallel_loop3A_115, %get3A_45 : vector<16xf32>
        tpu.vector_store_idx %arg8[%parallel_loop3A_175], %parallel_loop3A_177 {add = true} : memref<4096xf32, #tpu.memory_space<vmem>>[vector<16xi32>], vector<16xf32>,
        %parallel_loop3A_178 = arith.constant 80 : i32
        %parallel_loop3A_179 = arith.addi %parallel_loop3A_117, %parallel_loop3A_178 : i32
        %parallel_loop3A_180 = arith.index_cast %parallel_loop3A_179 : i32 to index
        %parallel_loop3A_181 = tpu.vector_load %arg5[%parallel_loop3A_180] {strides = array<i32>} : memref<32768xi32, #tpu.memory_space<vmem>>, vector<16xi32>,
        %parallel_loop3A_182 = arith.constant 65535 : i32
        %parallel_loop3A_183 = vector.broadcast %parallel_loop3A_182 : i32 to vector<16xi32>
        %parallel_loop3A_184 = arith.andi %parallel_loop3A_181, %parallel_loop3A_183 : vector<16xi32>
        %parallel_loop3A_185 = arith.constant 16 : i32
        %parallel_loop3A_186 = vector.broadcast %parallel_loop3A_185 : i32 to vector<16xi32>
        %parallel_loop3A_187 = arith.shrui %parallel_loop3A_181, %parallel_loop3A_186 : vector<16xi32>
        %parallel_loop3A_188 = arith.mulf %parallel_loop3A_115, %get3A_48 : vector<16xf32>
        tpu.vector_store_idx %arg8[%parallel_loop3A_184], %parallel_loop3A_188 {add = true} : memref<4096xf32, #tpu.memory_space<vmem>>[vector<16xi32>], vector<16xf32>,
        %parallel_loop3A_189 = arith.mulf %parallel_loop3A_115, %get3A_51 : vector<16xf32>
        tpu.vector_store_idx %arg8[%parallel_loop3A_187], %parallel_loop3A_189 {add = true} : memref<4096xf32, #tpu.memory_space<vmem>>[vector<16xi32>], vector<16xf32>,
        %parallel_loop3A_190 = arith.constant 96 : i32
        %parallel_loop3A_191 = arith.addi %parallel_loop3A_117, %parallel_loop3A_190 : i32
        %parallel_loop3A_192 = arith.index_cast %parallel_loop3A_191 : i32 to index
        %parallel_loop3A_193 = tpu.vector_load %arg5[%parallel_loop3A_192] {strides = array<i32>} : memref<32768xi32, #tpu.memory_space<vmem>>, vector<16xi32>,
        %parallel_loop3A_194 = arith.constant 65535 : i32
        %parallel_loop3A_195 = vector.broadcast %parallel_loop3A_194 : i32 to vector<16xi32>
        %parallel_loop3A_196 = arith.andi %parallel_loop3A_193, %parallel_loop3A_195 : vector<16xi32>
        %parallel_loop3A_197 = arith.constant 16 : i32
        %parallel_loop3A_198 = vector.broadcast %parallel_loop3A_197 : i32 to vector<16xi32>
        %parallel_loop3A_199 = arith.shrui %parallel_loop3A_193, %parallel_loop3A_198 : vector<16xi32>
        %parallel_loop3A_200 = arith.mulf %parallel_loop3A_115, %get3A_54 : vector<16xf32>
        tpu.vector_store_idx %arg8[%parallel_loop3A_196], %parallel_loop3A_200 {add = true} : memref<4096xf32, #tpu.memory_space<vmem>>[vector<16xi32>], vector<16xf32>,
        %parallel_loop3A_201 = arith.mulf %parallel_loop3A_115, %get3A_57 : vector<16xf32>
        tpu.vector_store_idx %arg8[%parallel_loop3A_199], %parallel_loop3A_201 {add = true} : memref<4096xf32, #tpu.memory_space<vmem>>[vector<16xi32>], vector<16xf32>,
        %parallel_loop3A_202 = arith.constant 112 : i32
        %parallel_loop3A_203 = arith.addi %parallel_loop3A_117, %parallel_loop3A_202 : i32
        %parallel_loop3A_204 = arith.index_cast %parallel_loop3A_203 : i32 to index
        %parallel_loop3A_205 = tpu.vector_load %arg5[%parallel_loop3A_204] {strides = array<i32>} : memref<32768xi32, #tpu.memory_space<vmem>>, vector<16xi32>,
        %parallel_loop3A_206 = arith.constant 65535 : i32
        %parallel_loop3A_207 = vector.broadcast %parallel_loop3A_206 : i32 to vector<16xi32>
        %parallel_loop3A_208 = arith.andi %parallel_loop3A_205, %parallel_loop3A_207 : vector<16xi32>
        %parallel_loop3A_209 = arith.constant 16 : i32
        %parallel_loop3A_210 = vector.broadcast %parallel_loop3A_209 : i32 to vector<16xi32>
        %parallel_loop3A_211 = arith.shrui %parallel_loop3A_205, %parallel_loop3A_210 : vector<16xi32>
        %parallel_loop3A_212 = arith.mulf %parallel_loop3A_115, %get3A_60 : vector<16xf32>
        tpu.vector_store_idx %arg8[%parallel_loop3A_208], %parallel_loop3A_212 {add = true} : memref<4096xf32, #tpu.memory_space<vmem>>[vector<16xi32>], vector<16xf32>,
        %parallel_loop3A_213 = arith.mulf %parallel_loop3A_115, %get3A_63 : vector<16xf32>
        tpu.vector_store_idx %arg8[%parallel_loop3A_211], %parallel_loop3A_213 {add = true} : memref<4096xf32, #tpu.memory_space<vmem>>[vector<16xi32>], vector<16xf32>,
      } {sc.loop_unroll_factor = 1 : i64, sc.parallel_access}
      %and3A = arith.constant 1 : i32
      %and3A_67 = arith.andi %scan3A_16, %and3A : i32
      "tpu.region"() ({
        %run_scoped3A = tpu.sem_alloc : memref<!tpu.dma_semaphore, #tpu.memory_space<semaphore_mem>>
        %dma_start3A = arith.constant 0 : i32
        %dma_start3A_75 = tpu.memref_slice %arg10[%and3A_67, %arg1, %dma_start3A] : memref<2x16x4096xf32, #tpu.memory_space<vmem_shared>> -> memref<1x1x4096xf32, #tpu.memory_space<vmem_shared>>
        %dma_start3A_76 = tpu.memref_squeeze %dma_start3A_75 : memref<1x1x4096xf32, #tpu.memory_space<vmem_shared>> -> memref<4096xf32, #tpu.memory_space<vmem_shared>>
        %dma_start3A_77 = arith.constant 0 : i32
        %dma_start3A_78 = tpu.memref_slice %arg10[%and3A_67, %arg1, %dma_start3A_77] : memref<2x16x4096xf32, #tpu.memory_space<vmem_shared>> -> memref<1x1x4096xf32, #tpu.memory_space<vmem_shared>>
        %dma_start3A_79 = tpu.memref_squeeze %dma_start3A_78 : memref<1x1x4096xf32, #tpu.memory_space<vmem_shared>> -> memref<4096xf32, #tpu.memory_space<vmem_shared>>
        tpu.enqueue_dma source(%arg8 : memref<4096xf32, #tpu.memory_space<vmem>>) target(%dma_start3A_79 : memref<4096xf32, #tpu.memory_space<vmem_shared>>) target_semaphore(%run_scoped3A : memref<!tpu.dma_semaphore, #tpu.memory_space<semaphore_mem>>)
        %dma_wait3A = arith.constant 0 : i32
        %dma_wait3A_80 = tpu.memref_slice %arg10[%and3A_67, %arg1, %dma_wait3A] : memref<2x16x4096xf32, #tpu.memory_space<vmem_shared>> -> memref<1x1x4096xf32, #tpu.memory_space<vmem_shared>>
        %dma_wait3A_81 = tpu.memref_squeeze %dma_wait3A_80 : memref<1x1x4096xf32, #tpu.memory_space<vmem_shared>> -> memref<4096xf32, #tpu.memory_space<vmem_shared>>
        %dma_wait3A_82 = arith.constant 0 : i32
        %dma_wait3A_83 = tpu.memref_slice %arg10[%and3A_67, %arg1, %dma_wait3A_82] : memref<2x16x4096xf32, #tpu.memory_space<vmem_shared>> -> memref<1x1x4096xf32, #tpu.memory_space<vmem_shared>>
        %dma_wait3A_84 = tpu.memref_squeeze %dma_wait3A_83 : memref<1x1x4096xf32, #tpu.memory_space<vmem_shared>> -> memref<4096xf32, #tpu.memory_space<vmem_shared>>
        tpu.wait_dma2 semaphore(%run_scoped3A : memref<!tpu.dma_semaphore, #tpu.memory_space<semaphore_mem>>) src(%arg8 : memref<4096xf32, #tpu.memory_space<vmem>>) dst(%dma_wait3A_84 : memref<4096xf32, #tpu.memory_space<vmem_shared>>)
        tpu.yield
      }) : () -> ()
      %parallel_loop3A_68 = arith.constant 0 : i32
      %parallel_loop3A_69 = arith.constant 256 : i32
      %parallel_loop3A_70 = arith.constant 1 : i32
      scf.for %parallel_loop3A_75 = %parallel_loop3A_68 to %parallel_loop3A_69 step %parallel_loop3A_70  : i32 {
        %parallel_loop3A_76 = arith.constant 0.000000e+00 : f32
        %parallel_loop3A_77 = vector.broadcast %parallel_loop3A_76 : f32 to vector<16xf32>
        %parallel_loop3A_78 = arith.constant 16 : i32
        %parallel_loop3A_79 = arith.muli %parallel_loop3A_75, %parallel_loop3A_78 : i32
        %parallel_loop3A_80 = arith.index_cast %parallel_loop3A_79 : i32 to index
        %parallel_loop3A_81 = tpu.vector_load %arg8[%parallel_loop3A_80] {strides = array<i32>} : memref<4096xf32, #tpu.memory_space<vmem>>, vector<16xf32>,
        tpu.vector_store %arg8[%parallel_loop3A_80], %parallel_loop3A_77 {strides = array<i32>} : memref<4096xf32, #tpu.memory_space<vmem>>, vector<16xf32>,
      } {sc.loop_unroll_factor = 8 : i64, sc.parallel_access}
      %barrier3A_71 = arith.constant 0 : index
      tpu.barrier barrier_id(%barrier3A_71)
      "tpu.region"() ({
        %run_scoped3A = tpu.sem_alloc : memref<!tpu.dma_semaphore, #tpu.memory_space<semaphore_mem>>
        %dma_start3A = arith.constant 0 : i32
        %dma_start3A_75 = tpu.memref_slice %arg10[%and3A_67, %dma_start3A, %mul3A_0] : memref<2x16x4096xf32, #tpu.memory_space<vmem_shared>> -> memref<1x16x256xf32, #tpu.memory_space<vmem_shared>>
        %dma_start3A_76 = tpu.memref_squeeze %dma_start3A_75 : memref<1x16x256xf32, #tpu.memory_space<vmem_shared>> -> memref<16x256xf32, #tpu.memory_space<vmem_shared>>
        %dma_start3A_77 = arith.constant 0 : i32
        %dma_start3A_78 = tpu.memref_slice %arg10[%and3A_67, %dma_start3A_77, %mul3A_0] : memref<2x16x4096xf32, #tpu.memory_space<vmem_shared>> -> memref<1x16x256xf32, #tpu.memory_space<vmem_shared>>
        %dma_start3A_79 = tpu.memref_squeeze %dma_start3A_78 : memref<1x16x256xf32, #tpu.memory_space<vmem_shared>> -> memref<16x256xf32, #tpu.memory_space<vmem_shared>>
        tpu.enqueue_dma source(%dma_start3A_79 : memref<16x256xf32, #tpu.memory_space<vmem_shared>>) target(%arg9 : memref<16x256xf32, #tpu.memory_space<vmem>>) target_semaphore(%run_scoped3A : memref<!tpu.dma_semaphore, #tpu.memory_space<semaphore_mem>>)
        %dma_wait3A = arith.constant 0 : i32
        %dma_wait3A_80 = tpu.memref_slice %arg10[%and3A_67, %dma_wait3A, %mul3A_0] : memref<2x16x4096xf32, #tpu.memory_space<vmem_shared>> -> memref<1x16x256xf32, #tpu.memory_space<vmem_shared>>
        %dma_wait3A_81 = tpu.memref_squeeze %dma_wait3A_80 : memref<1x16x256xf32, #tpu.memory_space<vmem_shared>> -> memref<16x256xf32, #tpu.memory_space<vmem_shared>>
        %dma_wait3A_82 = arith.constant 0 : i32
        %dma_wait3A_83 = tpu.memref_slice %arg10[%and3A_67, %dma_wait3A_82, %mul3A_0] : memref<2x16x4096xf32, #tpu.memory_space<vmem_shared>> -> memref<1x16x256xf32, #tpu.memory_space<vmem_shared>>
        %dma_wait3A_84 = tpu.memref_squeeze %dma_wait3A_83 : memref<1x16x256xf32, #tpu.memory_space<vmem_shared>> -> memref<16x256xf32, #tpu.memory_space<vmem_shared>>
        tpu.wait_dma2 semaphore(%run_scoped3A : memref<!tpu.dma_semaphore, #tpu.memory_space<semaphore_mem>>) src(%dma_wait3A_84 : memref<16x256xf32, #tpu.memory_space<vmem_shared>>) dst(%arg9 : memref<16x256xf32, #tpu.memory_space<vmem>>)
        tpu.yield
      }) : () -> ()
      %parallel_loop3A_72 = arith.constant 0 : i32
      %parallel_loop3A_73 = arith.constant 16 : i32
      %parallel_loop3A_74 = arith.constant 1 : i32
      scf.for %parallel_loop3A_75 = %parallel_loop3A_72 to %parallel_loop3A_73 step %parallel_loop3A_74  : i32 {
        %parallel_loop3A_76 = arith.constant 16 : i32
        %parallel_loop3A_77 = arith.muli %parallel_loop3A_75, %parallel_loop3A_76 : i32
        %parallel_loop3A_78 = arith.constant 0 : i32
        %parallel_loop3A_79 = arith.index_cast %parallel_loop3A_78 : i32 to index
        %parallel_loop3A_80 = arith.index_cast %parallel_loop3A_77 : i32 to index
        %parallel_loop3A_81 = tpu.vector_load %arg9[%parallel_loop3A_79, %parallel_loop3A_80] {strides = array<i32>} : memref<16x256xf32, #tpu.memory_space<vmem>>, vector<16xf32>,
        %parallel_loop3A_82 = arith.constant 16 : i32
        %parallel_loop3A_83 = arith.muli %parallel_loop3A_75, %parallel_loop3A_82 : i32
        %parallel_loop3A_84 = arith.constant 1 : i32
        %parallel_loop3A_85 = arith.index_cast %parallel_loop3A_84 : i32 to index
        %parallel_loop3A_86 = arith.index_cast %parallel_loop3A_83 : i32 to index
        %parallel_loop3A_87 = tpu.vector_load %arg9[%parallel_loop3A_85, %parallel_loop3A_86] {strides = array<i32>} : memref<16x256xf32, #tpu.memory_space<vmem>>, vector<16xf32>,
        %parallel_loop3A_88 = arith.addf %parallel_loop3A_81, %parallel_loop3A_87 : vector<16xf32>
        %parallel_loop3A_89 = arith.constant 16 : i32
        %parallel_loop3A_90 = arith.muli %parallel_loop3A_75, %parallel_loop3A_89 : i32
        %parallel_loop3A_91 = arith.constant 2 : i32
        %parallel_loop3A_92 = arith.index_cast %parallel_loop3A_91 : i32 to index
        %parallel_loop3A_93 = arith.index_cast %parallel_loop3A_90 : i32 to index
        %parallel_loop3A_94 = tpu.vector_load %arg9[%parallel_loop3A_92, %parallel_loop3A_93] {strides = array<i32>} : memref<16x256xf32, #tpu.memory_space<vmem>>, vector<16xf32>,
        %parallel_loop3A_95 = arith.addf %parallel_loop3A_88, %parallel_loop3A_94 : vector<16xf32>
        %parallel_loop3A_96 = arith.constant 16 : i32
        %parallel_loop3A_97 = arith.muli %parallel_loop3A_75, %parallel_loop3A_96 : i32
        %parallel_loop3A_98 = arith.constant 3 : i32
        %parallel_loop3A_99 = arith.index_cast %parallel_loop3A_98 : i32 to index
        %parallel_loop3A_100 = arith.index_cast %parallel_loop3A_97 : i32 to index
        %parallel_loop3A_101 = tpu.vector_load %arg9[%parallel_loop3A_99, %parallel_loop3A_100] {strides = array<i32>} : memref<16x256xf32, #tpu.memory_space<vmem>>, vector<16xf32>,
        %parallel_loop3A_102 = arith.addf %parallel_loop3A_95, %parallel_loop3A_101 : vector<16xf32>
        %parallel_loop3A_103 = arith.constant 16 : i32
        %parallel_loop3A_104 = arith.muli %parallel_loop3A_75, %parallel_loop3A_103 : i32
        %parallel_loop3A_105 = arith.constant 4 : i32
        %parallel_loop3A_106 = arith.index_cast %parallel_loop3A_105 : i32 to index
        %parallel_loop3A_107 = arith.index_cast %parallel_loop3A_104 : i32 to index
        %parallel_loop3A_108 = tpu.vector_load %arg9[%parallel_loop3A_106, %parallel_loop3A_107] {strides = array<i32>} : memref<16x256xf32, #tpu.memory_space<vmem>>, vector<16xf32>,
        %parallel_loop3A_109 = arith.addf %parallel_loop3A_102, %parallel_loop3A_108 : vector<16xf32>
        %parallel_loop3A_110 = arith.constant 16 : i32
        %parallel_loop3A_111 = arith.muli %parallel_loop3A_75, %parallel_loop3A_110 : i32
        %parallel_loop3A_112 = arith.constant 5 : i32
        %parallel_loop3A_113 = arith.index_cast %parallel_loop3A_112 : i32 to index
        %parallel_loop3A_114 = arith.index_cast %parallel_loop3A_111 : i32 to index
        %parallel_loop3A_115 = tpu.vector_load %arg9[%parallel_loop3A_113, %parallel_loop3A_114] {strides = array<i32>} : memref<16x256xf32, #tpu.memory_space<vmem>>, vector<16xf32>,
        %parallel_loop3A_116 = arith.addf %parallel_loop3A_109, %parallel_loop3A_115 : vector<16xf32>
        %parallel_loop3A_117 = arith.constant 16 : i32
        %parallel_loop3A_118 = arith.muli %parallel_loop3A_75, %parallel_loop3A_117 : i32
        %parallel_loop3A_119 = arith.constant 6 : i32
        %parallel_loop3A_120 = arith.index_cast %parallel_loop3A_119 : i32 to index
        %parallel_loop3A_121 = arith.index_cast %parallel_loop3A_118 : i32 to index
        %parallel_loop3A_122 = tpu.vector_load %arg9[%parallel_loop3A_120, %parallel_loop3A_121] {strides = array<i32>} : memref<16x256xf32, #tpu.memory_space<vmem>>, vector<16xf32>,
        %parallel_loop3A_123 = arith.addf %parallel_loop3A_116, %parallel_loop3A_122 : vector<16xf32>
        %parallel_loop3A_124 = arith.constant 16 : i32
        %parallel_loop3A_125 = arith.muli %parallel_loop3A_75, %parallel_loop3A_124 : i32
        %parallel_loop3A_126 = arith.constant 7 : i32
        %parallel_loop3A_127 = arith.index_cast %parallel_loop3A_126 : i32 to index
        %parallel_loop3A_128 = arith.index_cast %parallel_loop3A_125 : i32 to index
        %parallel_loop3A_129 = tpu.vector_load %arg9[%parallel_loop3A_127, %parallel_loop3A_128] {strides = array<i32>} : memref<16x256xf32, #tpu.memory_space<vmem>>, vector<16xf32>,
        %parallel_loop3A_130 = arith.addf %parallel_loop3A_123, %parallel_loop3A_129 : vector<16xf32>
        %parallel_loop3A_131 = arith.constant 16 : i32
        %parallel_loop3A_132 = arith.muli %parallel_loop3A_75, %parallel_loop3A_131 : i32
        %parallel_loop3A_133 = arith.constant 8 : i32
        %parallel_loop3A_134 = arith.index_cast %parallel_loop3A_133 : i32 to index
        %parallel_loop3A_135 = arith.index_cast %parallel_loop3A_132 : i32 to index
        %parallel_loop3A_136 = tpu.vector_load %arg9[%parallel_loop3A_134, %parallel_loop3A_135] {strides = array<i32>} : memref<16x256xf32, #tpu.memory_space<vmem>>, vector<16xf32>,
        %parallel_loop3A_137 = arith.addf %parallel_loop3A_130, %parallel_loop3A_136 : vector<16xf32>
        %parallel_loop3A_138 = arith.constant 16 : i32
        %parallel_loop3A_139 = arith.muli %parallel_loop3A_75, %parallel_loop3A_138 : i32
        %parallel_loop3A_140 = arith.constant 9 : i32
        %parallel_loop3A_141 = arith.index_cast %parallel_loop3A_140 : i32 to index
        %parallel_loop3A_142 = arith.index_cast %parallel_loop3A_139 : i32 to index
        %parallel_loop3A_143 = tpu.vector_load %arg9[%parallel_loop3A_141, %parallel_loop3A_142] {strides = array<i32>} : memref<16x256xf32, #tpu.memory_space<vmem>>, vector<16xf32>,
        %parallel_loop3A_144 = arith.addf %parallel_loop3A_137, %parallel_loop3A_143 : vector<16xf32>
        %parallel_loop3A_145 = arith.constant 16 : i32
        %parallel_loop3A_146 = arith.muli %parallel_loop3A_75, %parallel_loop3A_145 : i32
        %parallel_loop3A_147 = arith.constant 10 : i32
        %parallel_loop3A_148 = arith.index_cast %parallel_loop3A_147 : i32 to index
        %parallel_loop3A_149 = arith.index_cast %parallel_loop3A_146 : i32 to index
        %parallel_loop3A_150 = tpu.vector_load %arg9[%parallel_loop3A_148, %parallel_loop3A_149] {strides = array<i32>} : memref<16x256xf32, #tpu.memory_space<vmem>>, vector<16xf32>,
        %parallel_loop3A_151 = arith.addf %parallel_loop3A_144, %parallel_loop3A_150 : vector<16xf32>
        %parallel_loop3A_152 = arith.constant 16 : i32
        %parallel_loop3A_153 = arith.muli %parallel_loop3A_75, %parallel_loop3A_152 : i32
        %parallel_loop3A_154 = arith.constant 11 : i32
        %parallel_loop3A_155 = arith.index_cast %parallel_loop3A_154 : i32 to index
        %parallel_loop3A_156 = arith.index_cast %parallel_loop3A_153 : i32 to index
        %parallel_loop3A_157 = tpu.vector_load %arg9[%parallel_loop3A_155, %parallel_loop3A_156] {strides = array<i32>} : memref<16x256xf32, #tpu.memory_space<vmem>>, vector<16xf32>,
        %parallel_loop3A_158 = arith.addf %parallel_loop3A_151, %parallel_loop3A_157 : vector<16xf32>
        %parallel_loop3A_159 = arith.constant 16 : i32
        %parallel_loop3A_160 = arith.muli %parallel_loop3A_75, %parallel_loop3A_159 : i32
        %parallel_loop3A_161 = arith.constant 12 : i32
        %parallel_loop3A_162 = arith.index_cast %parallel_loop3A_161 : i32 to index
        %parallel_loop3A_163 = arith.index_cast %parallel_loop3A_160 : i32 to index
        %parallel_loop3A_164 = tpu.vector_load %arg9[%parallel_loop3A_162, %parallel_loop3A_163] {strides = array<i32>} : memref<16x256xf32, #tpu.memory_space<vmem>>, vector<16xf32>,
        %parallel_loop3A_165 = arith.addf %parallel_loop3A_158, %parallel_loop3A_164 : vector<16xf32>
        %parallel_loop3A_166 = arith.constant 16 : i32
        %parallel_loop3A_167 = arith.muli %parallel_loop3A_75, %parallel_loop3A_166 : i32
        %parallel_loop3A_168 = arith.constant 13 : i32
        %parallel_loop3A_169 = arith.index_cast %parallel_loop3A_168 : i32 to index
        %parallel_loop3A_170 = arith.index_cast %parallel_loop3A_167 : i32 to index
        %parallel_loop3A_171 = tpu.vector_load %arg9[%parallel_loop3A_169, %parallel_loop3A_170] {strides = array<i32>} : memref<16x256xf32, #tpu.memory_space<vmem>>, vector<16xf32>,
        %parallel_loop3A_172 = arith.addf %parallel_loop3A_165, %parallel_loop3A_171 : vector<16xf32>
        %parallel_loop3A_173 = arith.constant 16 : i32
        %parallel_loop3A_174 = arith.muli %parallel_loop3A_75, %parallel_loop3A_173 : i32
        %parallel_loop3A_175 = arith.constant 14 : i32
        %parallel_loop3A_176 = arith.index_cast %parallel_loop3A_175 : i32 to index
        %parallel_loop3A_177 = arith.index_cast %parallel_loop3A_174 : i32 to index
        %parallel_loop3A_178 = tpu.vector_load %arg9[%parallel_loop3A_176, %parallel_loop3A_177] {strides = array<i32>} : memref<16x256xf32, #tpu.memory_space<vmem>>, vector<16xf32>,
        %parallel_loop3A_179 = arith.addf %parallel_loop3A_172, %parallel_loop3A_178 : vector<16xf32>
        %parallel_loop3A_180 = arith.constant 16 : i32
        %parallel_loop3A_181 = arith.muli %parallel_loop3A_75, %parallel_loop3A_180 : i32
        %parallel_loop3A_182 = arith.constant 15 : i32
        %parallel_loop3A_183 = arith.index_cast %parallel_loop3A_182 : i32 to index
        %parallel_loop3A_184 = arith.index_cast %parallel_loop3A_181 : i32 to index
        %parallel_loop3A_185 = tpu.vector_load %arg9[%parallel_loop3A_183, %parallel_loop3A_184] {strides = array<i32>} : memref<16x256xf32, #tpu.memory_space<vmem>>, vector<16xf32>,
        %parallel_loop3A_186 = arith.addf %parallel_loop3A_179, %parallel_loop3A_185 : vector<16xf32>
        %parallel_loop3A_187 = arith.constant 16 : i32
        %parallel_loop3A_188 = arith.muli %parallel_loop3A_75, %parallel_loop3A_187 : i32
        %parallel_loop3A_189 = arith.index_cast %parallel_loop3A_188 : i32 to index
        %parallel_loop3A_190 = tpu.vector_load %arg7[%parallel_loop3A_189] {strides = array<i32>} : memref<256xf32, #tpu.memory_space<vmem>>, vector<16xf32>,
        tpu.vector_store %arg7[%parallel_loop3A_189], %parallel_loop3A_186 {strides = array<i32>} : memref<256xf32, #tpu.memory_space<vmem>>, vector<16xf32>,
      } {sc.loop_unroll_factor = 1 : i64, sc.parallel_access}
    }
    %scan3A_15 = arith.constant 256 : i32
    "tpu.region"() ({
      %run_scoped3A = tpu.sem_alloc : memref<!tpu.dma_semaphore, #tpu.memory_space<semaphore_mem>>
      %dma_start3A = tpu.memref_slice %arg4[%mul3A_0] : memref<4096xf32, #tpu.memory_space<hbm>> -> memref<256xf32, #tpu.memory_space<hbm>>
      %dma_start3A_16 = tpu.memref_slice %arg4[%mul3A_0] : memref<4096xf32, #tpu.memory_space<hbm>> -> memref<256xf32, #tpu.memory_space<hbm>>
      tpu.enqueue_dma source(%arg7 : memref<256xf32, #tpu.memory_space<vmem>>) target(%dma_start3A_16 : memref<256xf32, #tpu.memory_space<hbm>>) target_semaphore(%run_scoped3A : memref<!tpu.dma_semaphore, #tpu.memory_space<semaphore_mem>>)
      %dma_wait3A = tpu.memref_slice %arg4[%mul3A_0] : memref<4096xf32, #tpu.memory_space<hbm>> -> memref<256xf32, #tpu.memory_space<hbm>>
      %dma_wait3A_17 = tpu.memref_slice %arg4[%mul3A_0] : memref<4096xf32, #tpu.memory_space<hbm>> -> memref<256xf32, #tpu.memory_space<hbm>>
      tpu.wait_dma2 semaphore(%run_scoped3A : memref<!tpu.dma_semaphore, #tpu.memory_space<semaphore_mem>>) src(%arg7 : memref<256xf32, #tpu.memory_space<vmem>>) dst(%dma_wait3A_17 : memref<256xf32, #tpu.memory_space<hbm>>)
      tpu.yield
    }) : () -> ()
    return
  }
}

</mosaic_0001>

<sc_bundles>
// kernel: kernel.3.cloned.1.call-start
scs
__scs_entry_jumppad:
0x0: {  	(pc) =	sbr.rel $0x88, $3  }
0x1: {  	(tag) =	ssettag $0x0;
	lr =	simm.s32 $0x1  }
0x2: {  	[smem:$0x3F9F] =	sst lr;
	_ =	strace $0xD0000000  }
0x3: {  	_ = 	snop  }
0x4: {  	_ = 	snop  }
0x5: {  	_ = 	snop  }
0x6: {  	_ = 	snop  }
0x7: {  	_ = 	snop  }
__scs_overlays_trampoline_lowered:
0x8: {  	[smem:$0x3FAE] =	sst s0  }
0x9: {  	[smem:$0x3FAF] =	sst s1  }
0xa: {  	[smem:$0x3FB0] =	sst s2  }
0xb: {  	[smem:$0x3FB1] =	sst s3  }
0xc: {  	[smem:$0x3FB2] =	sst s4  }
0xd: {  	[smem:$0x3FB3] =	sst s5  }
0xe: {  	[smem:$0x3FB4] =	sst s6  }
0xf: {  	[smem:$0x3FB5] =	sst s7  }
0x10: {  	[smem:$0x3FB6] =	sst s8  }
0x11: {  	[smem:$0x3FB7] =	sst s9;
	s0 =	simm.s32 @!p0 $0x0  }
0x12: {  	s1 =	sld [smem:$0x3F9D];
	s0 =	simm.s32 @p0 $0x1  }
0x13: {  	[smem:$0x3FB8] =	sst s0;
	s0 =	simm.s32 @!p1 $0x0  }
0x14: {  	s2 =	sld [smem:$0x3F9C];
	s0 =	simm.s32 @p1 $0x1  }
0x15: {  	[smem:$0x3FB9] =	sst s0;
	s0 =	simm.s32 @!p2 $0x0  }
0x16: {  	s3 =	sld [smem:$0x3FDB];
	s0 =	simm.s32 @p2 $0x1  }
0x17: {  	s4 =	simm.s32 $0x1BF5;
	[smem:$0x3FBB] =	sst s0  }
0x18: {  	s0 =	sld [smem:$0x3F9E];
	_ =	swait.ge [sflag:s4], $0x0  }
0x19: {  	s7 =	sld [smem:$0x3F9F]  }
0x1a: {  	s8 =	sadd.s32 $0xFFFFE003, lr  }
0x1b: {  	s9 =	sadd.s32 $0xFFFFFEF7, lr;
	s5 =	simm.s32 $0xFFFFFFFF;
	p2 =	slt.u32 s8, $0xFFFFF086  }
0x1c: {  	p1 =	slt.u32 s9, $0xF7A;
	s5 =	simm.s32 @!p2 $0x0  }
0x1d: {  	s5 =	simm.s32 @p1 $0x1;
	p0 =	seq.s32 s7, s2  }
0x1e: {  	s7 =	smul.u32 @!p0 $0xF7A, s2;
	p2 =	seq.s32 @!p0 s5, $0x0  }
0x1f: {  	s9 =	smul.u32 $0xF7A, s1;
	s8 =	simm.s32 @!p0 $0x1BF5;
	p2 =	por !p2, p0  }
0x20: {  	[sflag:s8] =	ssyncset.s32 @!p0 $0xFFFFF086;
	s6 =	sadd.s32 @!p0 s3, s7;
	s7 =	simm.s32 @!p0 $0x108  }
0x21: {  	s3 =	sadd.s32 s3, s9;
	s6 =	sadd.s32 @!p0 $0x88, s6;
	s7 =	simm.s32 @p2 $0x1082  }
0x22: {  	[simem:s7], [sflag:s8] =	dma.local @!p0 [hbm:s6], $0xF7A  }
0x23: {  	s9 =	sor.u32 $0xD0000000, s2;
	s6 =	simm.s32 $0x108;
	_ =	swait.ge @!p0 [sflag:s8], $0x0  }
0x24: {  	s3 =	sadd.s32 $0x88, s3;
	s6 =	simm.s32 @!p1 $0x1082;
	[sflag:s4] =	ssyncset.s32 $0xFFFFF086  }
0x25: {  	[simem:s6], [sflag:s4] =	dma.local [hbm:s3], $0xF7A  }
0x26: {  	[smem:$0x3F9F] =	sst s1;
	(tag) =	ssettag s2;
	_ =	strace s9  }
0x27: {  	s1 =	sld [smem:$0x3FAF]  }
0x28: {  	s2 =	sld [smem:$0x3FB0]  }
0x29: {  	s4 =	sld [smem:$0x3FB2]  }
0x2a: {  	p0 =	seq.s32 s5, $0x0;
	s5 =	sld [smem:$0x3FB3]  }
0x2b: {  	s6 =	sld [smem:$0x3FB4]  }
0x2c: {  	s7 =	sld [smem:$0x3FB5]  }
0x2d: {  	s3 =	simm.s32 $0x108;
	s8 =	sld [smem:$0x3FB6]  }
0x2e: {  	s3 =	simm.s32 @!p0 $0x1082;
	s9 =	sld [smem:$0x3FB7]  }
0x2f: {  	lr =	sadd.s32 s0, s3;
	s0 =	sld [smem:$0x3FAE]  }
0x30: {  	s3 =	sld [smem:$0x3FB1]  }
0x31: {  	[smem:$0x3FBA] =	sst s10  }
0x32: {  	s10 =	sld [smem:$0x3FB8];
	_ =	sdelay $0x3  }
0x33: {  	p0 =	seq.s32 s10, $0x1;
	s10 =	sld [smem:$0x3FBA];
	_ =	sdelay $0x3  }
0x34: {  	[smem:$0x3FBA] =	sst s10  }
0x35: {  	s10 =	sld [smem:$0x3FB9];
	_ =	sdelay $0x3  }
0x36: {  	p1 =	seq.s32 s10, $0x1;
	s10 =	sld [smem:$0x3FBA];
	_ =	sdelay $0x3  }
0x37: {  	[smem:$0x3FBA] =	sst s10  }
0x38: {  	s10 =	sld [smem:$0x3FBB]  }
0x39: {  	_ = 	snop;
	(pc) =	sbr.ind lr, $3  }
0x3a: {  	_ = 	snop  }
0x3b: {  	_ = 	snop  }
0x3c: {  	p2 =	seq.s32 s10, $0x1;
	s10 =	sld [smem:$0x3FBA]  }
0x3d: {  	_ =	shalt  }
0x3e: {  	_ =	shalt  }
0x3f: {  	_ =	shalt  }
0x40: {  	_ =	shalt  }
0x41: {  	_ =	shalt  }
0x42: {  	_ =	shalt  }
0x43: {  	_ =	shalt  }
0x44: {  	_ =	shalt  }
0x45: {  	_ =	shalt  }
0x46: {  	_ =	shalt  }
0x47: {  	_ =	shalt  }
0x48: {  	_ =	shalt  }
0x49: {  	_ =	shalt  }
0x4a: {  	_ =	shalt  }
0x4b: {  	_ =	shalt  }
0x4c: {  	_ =	shalt  }
0x4d: {  	_ =	shalt  }
0x4e: {  	_ =	shalt  }
0x4f: {  	_ =	shalt  }
0x50: {  	_ =	shalt  }
0x51: {  	_ =	shalt  }
0x52: {  	_ =	shalt  }
0x53: {  	_ =	shalt  }
0x54: {  	_ =	shalt  }
0x55: {  	_ =	shalt  }
0x56: {  	_ =	shalt  }
0x57: {  	_ =	shalt  }
0x58: {  	_ =	shalt  }
0x59: {  	_ =	shalt  }
0x5a: {  	_ =	shalt  }
0x5b: {  	_ =	shalt  }
0x5c: {  	_ =	shalt  }
0x5d: {  	_ =	shalt  }
0x5e: {  	_ =	shalt  }
0x5f: {  	_ =	shalt  }
0x60: {  	_ =	shalt  }
0x61: {  	_ =	shalt  }
0x62: {  	_ =	shalt  }
0x63: {  	_ =	shalt  }
0x64: {  	_ =	shalt  }
0x65: {  	_ =	shalt  }
0x66: {  	_ =	shalt  }
0x67: {  	_ =	shalt  }
0x68: {  	_ =	shalt  }
0x69: {  	_ =	shalt  }
0x6a: {  	_ =	shalt  }
0x6b: {  	_ =	shalt  }
0x6c: {  	_ =	shalt  }
0x6d: {  	_ =	shalt  }
0x6e: {  	_ =	shalt  }
0x6f: {  	_ =	shalt  }
0x70: {  	_ =	shalt  }
0x71: {  	_ =	shalt  }
0x72: {  	_ =	shalt  }
0x73: {  	_ =	shalt  }
0x74: {  	_ =	shalt  }
0x75: {  	_ =	shalt  }
0x76: {  	_ =	shalt  }
0x77: {  	_ =	shalt  }
0x78: {  	_ =	shalt  }
0x79: {  	_ =	shalt  }
0x7a: {  	_ =	shalt  }
0x7b: {  	_ =	shalt  }
0x7c: {  	_ =	shalt  }
0x7d: {  	_ =	shalt  }
0x7e: {  	_ =	shalt  }
0x7f: {  	_ =	shalt  }
0x80: {  	_ =	shalt  }
0x81: {  	_ =	shalt  }
0x82: {  	_ =	shalt  }
0x83: {  	_ =	shalt  }
0x84: {  	_ =	shalt  }
0x85: {  	_ =	shalt  }
0x86: {  	_ =	shalt  }
0x87: {  	_ =	shalt  }
.Lfunc_end0:
.L_simem_size_0:
called_computation_lowered:
.L_overlay_start_0:
0x88: {  	s0 =	sld [smem:$0x3FD9]  }
0x89: {  	s1 =	sld [smem:$0x3FFE];
	_ =	sdelay $0x3  }
0x8a: {  	s0 =	sadd.s32 s1, s0  }
0x8b: {  	[smem:$0x3FC6] =	sst s0  }
0x8c: {  	_ = 	snop  }
0x8d: {  	s0 =	sld [smem:$0x3FC9]  }
0x8e: {  	s16 =	sld [smem:$0x3FD0];
	(tm) =	ssettm $0x1  }
0x8f: {  	s2 =	sld [smem:$0x3FFB];
	_ =	sdelay $0x3  }
0x90: {  	_ =	strace s2  }
0x91: {  	s2 =	sld [smem:$0x3FFC];
	_ =	sdelay $0x3  }
0x92: {  	_ =	strace s2  }
0x93: {  	s2 =	sld [smem:$0x3FFD];
	_ =	sdelay $0x3  }
0x94: {  	_ =	strace s2  }
0x95: {  	_ =	strace $0x8FFFFFFF  }
0x96: {  	s17 =	sld [smem:$0x3FDB];
	_ =	sdelay $0x1  }
0x97: {  	s3 =	simm.s32 $_scs_section_size  }
0x98: {  	s4 =	simm.s32 $_size__tile_overlayer_lowered;
	s5 =	simm.s32 $_tile_overlayer_lowered  }
0x99: {  	s20 =	simm.s32 $0x1BFF;
	s19 =	sshll.u32 s5, $0x1;
	s2 =	sadd.s32 s3, s17  }
0x9a: {  	s6 =	simm.s32 $0x0;
	s18 =	sshll.u32 s4, $0x1;
	s4 =	sadd.s32 s19, s2  }
0x9b: {  	[timem:s6], [sflag:s20] =	dma.local [hbm:s4], s18  }
0x9c: {  	_ =	swait.ge [sflag:s20], s18  }
0x9d: {  	s3 =	ssub.s32 $0x0, s18;
	[sflag:s20] =	ssyncset.done $0x0  }
0x9e: {  	[sflag:s20] =	ssyncadd.s32 s3;
	_ =	sdelay $0x1  }
0x9f: {  	s21 =	simm.s32 $0x1B8B  }
0xa0: {  	_ =	swait.ge [sflag:s21], $0x1  }
0xa1: {  	[sflag:s21] =	ssyncset.done $0x0  }
0xa2: {  	s23 =	simm.s32 $0x1B8E;
	s22 =	sld [smem:$0x3FFE];
	[sflag:s21] =	ssyncadd.s32 $0xFFFFFFFF  }
0xa3: {  	s24 =	simm.s32 $execute0_lowered;
	[smem:$0x3FD2] =	sst s23  }
0xa4: {  	s4 =	sshll.u32 s24, $0x1;
	_ =	strace $0x80000046;
	[dreg:$0x1] =	wrdreg $0xFFFFFFFF  }
0xa5: {  	s25 =	simm.s32 $_size_execute0_lowered;
	s2 =	sadd.s32 s2, s4;
	[dreg:$0x0] =	wrdreg $0x0  }
0xa6: {  	s4 =	sshll.u32 s25, $0x1;
	[dreg:$0x2] =	wrdreg s2  }
0xa7: {  	[dreg:$0x3] =	wrdreg s4  }
0xa8: {  	[dreg:$0x4] =	wrdreg $0xC0  }
0xa9: {  	_ =	task [dreg:s6], $0x5FFFF  }
0xaa: {  	[dreg:$0x1] =	wrdreg $0xFFFFFFFF  }
0xab: {  	[dreg:$0x0] =	wrdreg $0x60  }
0xac: {  	[dreg:$0x2] =	wrdreg s0  }
0xad: {  	[dreg:$0x3] =	wrdreg s22  }
0xae: {  	[dreg:$0x4] =	wrdreg s16  }
0xaf: {  	[dreg:$0x5] =	wrdreg $0x1A1000  }
0xb0: {  	[dreg:$0x6] =	wrdreg $0x9  }
0xb1: {  	_ =	task.clear_ibuf [dreg:s6], $0x7FFFF;
	_ =	strace $0x90000046  }
0xb2: {  	s26 =	simm.s32 $0x9;
	_ =	strace $0x80000048  }
0xb3: {  	_ =	swait.ge [sflag:s26], $0x1  }
0xb4: {  	[sflag:s26] =	ssyncadd.s32 $0xFFFFFFFF  }
0xb5: {  	_ =	strace $0x90000048  }
0xb6: {  	_ =	sfence  }
0xb7: {  	s28 =	sld [smem:$0x0];
	_ =	sdelay $0x1  }
0xb8: {  	s29 =	srdreg.scid  }
0xb9: {  	s30 =	sshll.u32 s29, $0xD;
	s31 =	sshrl.u32 s29, $0x2  }
0xba: {  	s1 =	sand.u32 $0x1, s29;
	s2 =	sand.u32 $0x4000, s30;
	s0 =	sadd.s32 s31, s28  }
0xbb: {  	s1 =	sor.u32 s2, s1;
	s0 =	sshll.u32 s0, $0x11  }
0xbc: {  	s0 =	sor.u32 s0, s1  }
0xbd: {  	s0 =	sadd.s32 $0x8F2B, s0  }
0xbe: {  	[sflag:s0] =	ssyncadd.remote.s32 $0x1  }
0xbf: {  	_ =	sfence.sel $0xFFFF  }
0xc0: {  	[dreg:$0x0] =	wrdreg $0xFFFFFFFF;
	(pc) =	sbr.abs _section_cstart, $3  }
0xc1: {  	[dreg:$0x1] =	wrdreg $0xFFFFFFFF  }
0xc2: {  	_ =	task.clear_ibuf [dreg:s6], $0x2FFFF;
	_ =	strace $0x9FFFFFFF  }
0xc3: {  	(tm) =	ssettm $0x7FFFFFFF  }
tec
execute0_lowered:
.L_overlay_start_1:
0x0: {  	(tag) =	ssettag $0x1  }
0x1: {  	s2 =	rddreg [dreg:$0x0]  }
0x2: {  	s3 =	rddreg [dreg:$0x1]  }
0x3: {  	s4 =	rddreg [dreg:$0x2]  }
0x4: {  	s1 =	rddreg [dreg:$0x3];
	s6 =	stileid.u32  }
0x5: {  	s0 =	rddreg [dreg:$0x4];
	s5 =	simm.s32 $0x0;
	s7 =	sshll.u32 s6, $0xC  }
0x6: {  	[smem:$0x7FF] =	sst s5;
	s3 =	sadd.s32 s7, s3  }
0x7: {  	s29 =	simm.s32 $0x1;
	_ =	strace $0x80000047;
	s3 =	sadd.s32 $0x400, s3  }
0x8: {  	[tilespmem:s5], [sflag:$0x1] =	stream.linear.gather [hbm4b:s3+s5], $0x8000, $0x38;
	[tilespmem:$0x1C100] =	vst v63  }
0x9: {  	_ =	swait.ge [sflag:s29], $0x8000  }
0xa: {  	[sflag:s29] =	ssyncset.done $0x0  }
0xb: {  	s8 =	simm.s32 $0x8000;
	[sflag:s29] =	ssyncadd.s32 $0xFFFF8000  }
0xc: {  	[tilespmem:s8], [sflag:$0x1] =	stream.linear.gather [hbm4b:s2+s5], $0x10000, $0x38;
	[tilespmem:$0x1C100] =	vst v63  }
0xd: {  	_ =	swait.ge [sflag:s29], $0x10000  }
0xe: {  	[sflag:s29] =	ssyncset.done $0x0  }
0xf: {  	v0 =	vimm.f32 $0.0e+00;
	[sflag:s29] =	ssyncadd.s32 $0xFFFF0000  }
0x10: {  	[tilespmem:$0x18000] =	vst v0  }
0x11: {  	[tilespmem:$0x18010] =	vst v0  }
0x12: {  	[tilespmem:$0x18020] =	vst v0  }
0x13: {  	[tilespmem:$0x18030] =	vst v0  }
0x14: {  	[tilespmem:$0x18040] =	vst v0  }
0x15: {  	[tilespmem:$0x18050] =	vst v0  }
0x16: {  	[tilespmem:$0x18060] =	vst v0  }
0x17: {  	[tilespmem:$0x18070] =	vst v0  }
0x18: {  	[tilespmem:$0x18080] =	vst v0  }
0x19: {  	[tilespmem:$0x18090] =	vst v0  }
0x1a: {  	[tilespmem:$0x180A0] =	vst v0  }
0x1b: {  	[tilespmem:$0x180B0] =	vst v0  }
0x1c: {  	[tilespmem:$0x180C0] =	vst v0  }
0x1d: {  	p0 =	sne.s32 s6, $0x0;
	[tilespmem:$0x180D0] =	vst v0  }
0x1e: {  	v1 =	vimm.f32 @!p0 $0.0e+00;
	vm0 =	vcmask @!p0 $0x300;
	[tilespmem:$0x180E0] =	vst v0  }
0x1f: {  	v1 =	vsel @!p0 vm0, $0x3F800000, v1;
	[tilespmem:$0x180F0] =	vst v0  }
0x20: {  	s5 =	simm.s32 $0x18140;
	[tilespmem:$0x18000] =	vst @!p0 v1  }
0x21: {  	[tilespmem:s5+$0xFFFFFFC0] =	vst v0  }
0x22: {  	[tilespmem:s5+$0x30] =	vst v0  }
0x23: {  	[tilespmem:s5+$0x20] =	vst v0  }
0x24: {  	[tilespmem:s5+$0x10] =	vst v0  }
0x25: {  	s30 =	sshll.u32 s6, $0x7;
	[tilespmem:s5+$0x0] =	vst v0  }
0x26: {  	s31 =	sshll.u32 s6, $0x5;
	s10 =	sshll.u32 s6, $0xD;
	s6 =	simm.s32 $0x0;
	[tilespmem:s5+$0xFFFFFFF0] =	vst v0  }
0x27: {  	s4 =	sadd.s32 s4, s31;
	s3 =	sand.u32 $0x380, s30;
	s2 =	sand.u32 $0x8000, s7;
	[tilespmem:s5+$0xFFFFFFE0] =	vst v0  }
.LBB2_1:
0x28: {  	s6 =	sadd.s32 $0x8, s6;
	[tilespmem:s5+$0xFFFFFFD0] =	vst v0;
	s5 =	sadd.s32 $0x80, s5  }
0x29: {  	[tilespmem:s5+$0xFFFFFFC0] =	vst v0;
	p1 =	slt.u32 s6, $0xF8  }
0x2a: {  	[tilespmem:s5+$0x30] =	vst v0  }
.Ltmp0:
0x2b: {  	[tilespmem:s5+$0x20] =	vst v0;
	(pc) =	sbr.rel @p1 .LBB2_1-.Ltmp0, $4  }
0x2c: {  	[tilespmem:s5+$0x10] =	vst v0  }
0x2d: {  	[tilespmem:s5+$0x0] =	vst v0  }
0x2e: {  	[tilespmem:s5+$0xFFFFFFF0] =	vst v0  }
0x2f: {  	[tilespmem:s5+$0xFFFFFFE0] =	vst v0  }
0x30: {  	[tilespmem:s5+$0xFFFFFFD0] =	vst v0;
	s5 =	simm.s32 $0x0;
	s6 =	simm.s32 $0x18100  }
0x31: {  	s7 =	simm.s32 $0x80;
	s8 =	simm.s32 $0x400;
	s9 =	simm.s32 $0x1  }
0x32: {  	s10 =	sshrl.u32 s10, $0x2;
	s11 =	simm.s32 $0x800;
	s12 =	simm.s32 $0x8000  }
0x33: {  	v0 =	vimm.f32 $0.0e+00;
	s13 =	simm.s32 $0x19100;
	s14 =	simm.s32 $0x0;
	[bflag:$0x0] =	sbarrier.arrive $0xFFFF  }
.LBB2_3:
0x34: {  	s15 =	sshll.u32 s14, $0x8;
	s16 =	sshll.u32 s14, $0x7  }
0x35: {  	s17 =	sand.u32 $0xF0, s5;
	s15 =	sand.u32 $0xF800, s15;
	s16 =	sand.u32 $0x380, s16  }
0x36: {  	v2 =	vld [tilespmem:s17+$0x18000];
	s16 =	sor.u32 s16, s15  }
0x37: {  	v16 =	vld [tilespmem:s16+$0x8000]  }
0x38: {  	v19 =	vld [tilespmem:s16+$0x8010]  }
0x39: {  	v17 =	vld [tilespmem:s16+$0x8020]  }
0x3a: {  	v18 =	vld [tilespmem:s16+$0x8030]  }
0x3b: {  	v14 =	vld [tilespmem:s16+$0x8040]  }
0x3c: {  	v15 =	vld [tilespmem:s16+$0x8050]  }
0x3d: {  	s15 =	simm.s32 $0x40;
	v13 =	vld [tilespmem:s16+$0x8060]  }
0x3e: {  	v1 =	vld [tilespmem:s15+$0xFFFFFFC0]  }
0x3f: {  	v11 =	vld [tilespmem:s16+$0x8070]  }
0x40: {  	v10 =	vld [tilespmem:s16+$0x8400]  }
0x41: {  	v9 =	vld [tilespmem:s16+$0x8410]  }
0x42: {  	v8 =	vld [tilespmem:s16+$0x8420]  }
0x43: {  	v3 =	vmov s5;
	v7 =	vld [tilespmem:s16+$0x8430];
	v6 =	vand.u32 $0xFFFF, v1  }
0x44: {  	v4 =	vld [tilespmem:s16+$0x8440];
	v3 =	vperm.xlane v2, v3;
	v12 =	vshrl.u32 v1, $0x10  }
0x45: {  	v5 =	vld [tilespmem:s16+$0x8450]  }
0x46: {  	v2 =	vld [tilespmem:s16+$0x8460];
	v20 =	vmul.f32 v3, v16  }
0x47: {  	v1 =	vld [tilespmem:s16+$0x8470];
	v21 =	vmul.f32 v3, v19  }
0x48: {  	[tilespmem:v6+s6+$0x0] =	vst.idx.add.f32.msk $0xffff, v20  }
0x49: {  	[tilespmem:v12+s6+$0x0] =	vst.idx.add.f32.msk $0xffff, v21  }
0x4a: {  	v6 =	vld [tilespmem:s15+$0xFFFFFFD0];
	_ =	sdelay $0x4  }
0x4b: {  	v12 =	vand.u32 $0xFFFF, v6  }
0x4c: {  	v6 =	vshrl.u32 v6, $0x10  }
0x4d: {  	s28 =	simm.s32 $0x1;
	s16 =	simm.s32 $0xC0  }
0x4e: {  	s29 =	sand.u32 $0xF0, s28;
	v22 =	vld [tilespmem:s16+$0xFFFFFFC0];
	v21 =	vmul.f32 v3, v17  }
0x4f: {  	v23 =	vmul.f32 v3, v18;
	v20 =	vld [tilespmem:s29+$0x18000]  }
0x50: {  	[tilespmem:v12+s6+$0x0] =	vst.idx.add.f32.msk $0xffff, v21  }
0x51: {  	[tilespmem:v6+s6+$0x0] =	vst.idx.add.f32.msk $0xffff, v23  }
0x52: {  	v12 =	vld [tilespmem:s15+$0xFFFFFFE0];
	_ =	sdelay $0x1  }
0x53: {  	v21 =	vand.u32 $0xFFFF, v22;
	v6 =	vmov s28  }
0x54: {  	v6 =	vperm.xlane v20, v6;
	v20 =	vshrl.u32 v22, $0x10;
	_ =	sdelay $0x1  }
0x55: {  	v22 =	vmul.f32 v6, v16;
	v23 =	vand.u32 $0xFFFF, v12  }
0x56: {  	v24 =	vmul.f32 v6, v19;
	v12 =	vshrl.u32 v12, $0x10  }
0x57: {  	[tilespmem:v21+s6+$0x0] =	vst.idx.add.f32.msk $0xffff, v22  }
0x58: {  	[tilespmem:v20+s6+$0x0] =	vst.idx.add.f32.msk $0xffff, v24;
	v20 =	vmul.f32 v3, v14  }
0x59: {  	v22 =	vmul.f32 v3, v15;
	v21 =	vld [tilespmem:s16+$0xFFFFFFD0]  }
0x5a: {  	[tilespmem:v23+s6+$0x0] =	vst.idx.add.f32.msk $0xffff, v20  }
0x5b: {  	[tilespmem:v12+s6+$0x0] =	vst.idx.add.f32.msk $0xffff, v22  }
0x5c: {  	v12 =	vld [tilespmem:s15+$0xFFFFFFF0];
	_ =	sdelay $0x1  }
0x5d: {  	v20 =	vand.u32 $0xFFFF, v21  }
0x5e: {  	v21 =	vshrl.u32 v21, $0x10  }
0x5f: {  	s18 =	simm.s32 $0x2;
	s17 =	simm.s32 $0x140  }
0x60: {  	s30 =	sand.u32 $0xF0, s18;
	v25 =	vld [tilespmem:s17+$0xFFFFFFC0];
	v23 =	vmul.f32 v6, v17;
	v24 =	vand.u32 $0xFFFF, v12  }
0x61: {  	v26 =	vmul.f32 v6, v18;
	v22 =	vld [tilespmem:s30+$0x18000];
	v12 =	vshrl.u32 v12, $0x10  }
0x62: {  	[tilespmem:v20+s6+$0x0] =	vst.idx.add.f32.msk $0xffff, v23  }
0x63: {  	v20 =	vmul.f32 v3, v13;
	[tilespmem:v21+s6+$0x0] =	vst.idx.add.f32.msk $0xffff, v26  }
0x64: {  	v23 =	vmul.f32 v3, v11;
	v21 =	vld [tilespmem:s16+$0xFFFFFFE0]  }
0x65: {  	[tilespmem:v24+s6+$0x0] =	vst.idx.add.f32.msk $0xffff, v20  }
0x66: {  	v20 =	vand.u32 $0xFFFF, v25;
	[tilespmem:v12+s6+$0x0] =	vst.idx.add.f32.msk $0xffff, v23;
	v12 =	vmov s18  }
0x67: {  	v23 =	vld [tilespmem:s15+$0x0];
	v12 =	vperm.xlane v22, v12;
	v22 =	vshrl.u32 v25, $0x10;
	_ =	sdelay $0x1  }
0x68: {  	v25 =	vand.u32 $0xFFFF, v21;
	v24 =	vmul.f32 v12, v16  }
0x69: {  	v21 =	vshrl.u32 v21, $0x10;
	v26 =	vmul.f32 v12, v19  }
0x6a: {  	[tilespmem:v20+s6+$0x0] =	vst.idx.add.f32.msk $0xffff, v24  }
0x6b: {  	v20 =	vmul.f32 v6, v14;
	[tilespmem:v22+s6+$0x0] =	vst.idx.add.f32.msk $0xffff, v26;
	v22 =	vand.u32 $0xFFFF, v23  }
0x6c: {  	v26 =	vmul.f32 v6, v15;
	v23 =	vshrl.u32 v23, $0x10;
	v24 =	vld [tilespmem:s17+$0xFFFFFFD0]  }
0x6d: {  	[tilespmem:v25+s6+$0x0] =	vst.idx.add.f32.msk $0xffff, v20  }
0x6e: {  	v20 =	vmul.f32 v3, v10;
	[tilespmem:v21+s6+$0x0] =	vst.idx.add.f32.msk $0xffff, v26  }
0x6f: {  	v25 =	vmul.f32 v3, v9;
	v21 =	vld [tilespmem:s16+$0xFFFFFFF0]  }
0x70: {  	[tilespmem:v22+s6+$0x0] =	vst.idx.add.f32.msk $0xffff, v20  }
0x71: {  	[tilespmem:v23+s6+$0x0] =	vst.idx.add.f32.msk $0xffff, v25;
	v20 =	vand.u32 $0xFFFF, v24  }
0x72: {  	v23 =	vshrl.u32 v24, $0x10;
	v22 =	vld [tilespmem:s15+$0x10]  }
0x73: {  	s19 =	simm.s32 $0x3;
	s18 =	simm.s32 $0x1C0  }
0x74: {  	s31 =	sand.u32 $0xF0, s19;
	v27 =	vld [tilespmem:s18+$0xFFFFFFC0];
	v25 =	vmul.f32 v12, v17;
	v26 =	vand.u32 $0xFFFF, v21  }
0x75: {  	v28 =	vmul.f32 v12, v18;
	v24 =	vld [tilespmem:s31+$0x18000];
	v21 =	vshrl.u32 v21, $0x10  }
0x76: {  	[tilespmem:v20+s6+$0x0] =	vst.idx.add.f32.msk $0xffff, v25  }
0x77: {  	v20 =	vmul.f32 v6, v13;
	[tilespmem:v23+s6+$0x0] =	vst.idx.add.f32.msk $0xffff, v28;
	v23 =	vand.u32 $0xFFFF, v22  }
0x78: {  	v63 =	vmul.f32 v6, v11;
	v22 =	vshrl.u32 v22, $0x10;
	v25 =	vld [tilespmem:s17+$0xFFFFFFE0]  }
0x79: {  	[tilespmem:v26+s6+$0x0] =	vst.idx.add.f32.msk $0xffff, v20  }
0x7a: {  	v20 =	vmov s19;
	v26 =	vand.u32 $0xFFFF, v27;
	[tilespmem:v21+s6+$0x0] =	vst.idx.add.f32.msk $0xffff, v63;
	v21 =	vmul.f32 v3, v8  }
0x7b: {  	v20 =	vperm.xlane v24, v20;
	v24 =	vshrl.u32 v27, $0x10;
	v27 =	vmul.f32 v3, v7;
	v28 =	vld [tilespmem:s16+$0x0]  }
0x7c: {  	[tilespmem:v23+s6+$0x0] =	vst.idx.add.f32.msk $0xffff, v21  }
0x7d: {  	v21 =	vmul.f32 v20, v16;
	v23 =	vand.u32 $0xFFFF, v25;
	[tilespmem:v22+s6+$0x0] =	vst.idx.add.f32.msk $0xffff, v27  }
0x7e: {  	v22 =	vmul.f32 v20, v19;
	v25 =	vshrl.u32 v25, $0x10;
	v27 =	vld [tilespmem:s15+$0x20]  }
0x7f: {  	[tilespmem:v26+s6+$0x0] =	vst.idx.add.f32.msk $0xffff, v21  }
0x80: {  	v21 =	vmul.f32 v12, v14;
	[tilespmem:v24+s6+$0x0] =	vst.idx.add.f32.msk $0xffff, v22;
	v24 =	vand.u32 $0xFFFF, v28  }
0x81: {  	v22 =	vmul.f32 v12, v15;
	v28 =	vshrl.u32 v28, $0x10;
	v26 =	vld [tilespmem:s18+$0xFFFFFFD0]  }
0x82: {  	[tilespmem:v23+s6+$0x0] =	vst.idx.add.f32.msk $0xffff, v21  }
0x83: {  	v21 =	vmul.f32 v6, v10;
	[tilespmem:v25+s6+$0x0] =	vst.idx.add.f32.msk $0xffff, v22;
	v23 =	vand.u32 $0xFFFF, v27  }
0x84: {  	v25 =	vmul.f32 v6, v9;
	v27 =	vshrl.u32 v27, $0x10;
	v22 =	vld [tilespmem:s17+$0xFFFFFFF0]  }
0x85: {  	[tilespmem:v24+s6+$0x0] =	vst.idx.add.f32.msk $0xffff, v21  }
0x86: {  	v24 =	vmul.f32 v3, v4;
	[tilespmem:v28+s6+$0x0] =	vst.idx.add.f32.msk $0xffff, v25  }
0x87: {  	v25 =	vmul.f32 v3, v5;
	v21 =	vld [tilespmem:s16+$0x10]  }
0x88: {  	[tilespmem:v23+s6+$0x0] =	vst.idx.add.f32.msk $0xffff, v24;
	v23 =	vand.u32 $0xFFFF, v26  }
0x89: {  	s19 =	simm.s32 $0x4;
	v24 =	vshrl.u32 v26, $0x10;
	[tilespmem:v27+s6+$0x0] =	vst.idx.add.f32.msk $0xffff, v25  }
.LBB2_4:
0x8a: {  	s20 =	sand.u32 $0xF0, s19;
	p1 =	sne.s32 s19, $0xFF;
	v25 =	vld [tilespmem:s15+$0x30];
	s15 =	smov.u32 s16  }
0x8b: {  	v27 =	vmul.f32 v20, v17;
	v28 =	vand.u32 $0xFFFF, v22;
	s16 =	smov.u32 s17;
	s17 =	smov.u32 s18;
	s18 =	sadd.s32 $0x80, s18;
	v26 =	vld [tilespmem:s20+$0x18000]  }
0x8c: {  	v30 =	vmul.f32 v20, v18;
	v22 =	vshrl.u32 v22, $0x10;
	v29 =	vld [tilespmem:s18+$0xFFFFFFC0]  }
0x8d: {  	[tilespmem:v23+s6+$0x0] =	vst.idx.add.f32.msk $0xffff, v27  }
0x8e: {  	v23 =	vmul.f32 v12, v13;
	[tilespmem:v24+s6+$0x0] =	vst.idx.add.f32.msk $0xffff, v30;
	v24 =	vand.u32 $0xFFFF, v21  }
0x8f: {  	v30 =	vmul.f32 v12, v11;
	v27 =	vld [tilespmem:s17+$0xFFFFFFE0];
	v31 =	vand.u32 $0xFFFF, v25  }
0x90: {  	[tilespmem:v28+s6+$0x0] =	vst.idx.add.f32.msk $0xffff, v23;
	v23 =	vshrl.u32 v25, $0x10  }
0x91: {  	v21 =	vshrl.u32 v21, $0x10;
	[tilespmem:v22+s6+$0x0] =	vst.idx.add.f32.msk $0xffff, v30;
	v22 =	vmul.f32 v6, v8  }
0x92: {  	v28 =	vmul.f32 v3, v2;
	v25 =	vld [tilespmem:s16+$0x0]  }
0x93: {  	v30 =	vmov s19;
	v32 =	vand.u32 $0xFFFF, v29;
	[tilespmem:v24+s6+$0x0] =	vst.idx.add.f32.msk $0xffff, v22;
	v22 =	vmul.f32 v3, v1;
	v3 =	vmovc v6;
	v6 =	vmovc v12  }
0x94: {  	v24 =	vperm.xlane v26, v30;
	v26 =	vshrl.u32 v29, $0x10;
	v29 =	vmul.f32 v3, v7;
	[tilespmem:v31+s6+$0x0] =	vst.idx.add.f32.msk $0xffff, v28  }
0x95: {  	v12 =	vmov v20;
	[tilespmem:v23+s6+$0x0] =	vst.idx.add.f32.msk $0xffff, v22  }
0x96: {  	v22 =	vmul.f32 v24, v16;
	v23 =	vand.u32 $0xFFFF, v27;
	v20 =	vmov v24;
	[tilespmem:v21+s6+$0x0] =	vst.idx.add.f32.msk $0xffff, v29  }
0x97: {  	v24 =	vshrl.u32 v27, $0x10;
	v21 =	vmul.f32 v20, v19;
	v27 =	vld [tilespmem:s15+$0x20]  }
0x98: {  	[tilespmem:v32+s6+$0x0] =	vst.idx.add.f32.msk $0xffff, v22  }
0x99: {  	[tilespmem:v26+s6+$0x0] =	vst.idx.add.f32.msk $0xffff, v21;
	v21 =	vmul.f32 v12, v14;
	v26 =	vand.u32 $0xFFFF, v25  }
0x9a: {  	v22 =	vmul.f32 v12, v15;
	v25 =	vshrl.u32 v25, $0x10;
	v28 =	vld [tilespmem:s18+$0xFFFFFFD0]  }
0x9b: {  	[tilespmem:v23+s6+$0x0] =	vst.idx.add.f32.msk $0xffff, v21  }
0x9c: {  	v21 =	vmul.f32 v6, v10;
	[tilespmem:v24+s6+$0x0] =	vst.idx.add.f32.msk $0xffff, v22;
	v24 =	vand.u32 $0xFFFF, v27  }
0x9d: {  	v23 =	vmul.f32 v6, v9;
	v27 =	vshrl.u32 v27, $0x10;
	v22 =	vld [tilespmem:s17+$0xFFFFFFF0]  }
.Ltmp1:
0x9e: {  	[tilespmem:v26+s6+$0x0] =	vst.idx.add.f32.msk $0xffff, v21;
	(pc) =	sbr.rel @p1 .LBB2_4-.Ltmp1, $4  }
0x9f: {  	[tilespmem:v25+s6+$0x0] =	vst.idx.add.f32.msk $0xffff, v23;
	v25 =	vmul.f32 v3, v4  }
0xa0: {  	v26 =	vmul.f32 v3, v5;
	v21 =	vld [tilespmem:s16+$0x10]  }
0xa1: {  	v23 =	vand.u32 $0xFFFF, v28;
	[tilespmem:v24+s6+$0x0] =	vst.idx.add.f32.msk $0xffff, v25  }
0xa2: {  	s19 =	sadd.s32 $0x1, s19;
	v24 =	vshrl.u32 v28, $0x10;
	[tilespmem:v27+s6+$0x0] =	vst.idx.add.f32.msk $0xffff, v26  }
0xa3: {  	_ =	sdelay $0x1  }
0xa4: {  	v16 =	vmul.f32 v20, v17  }
0xa5: {  	v61 =	vmul.f32 v20, v18  }
0xa6: {  	[tilespmem:v23+s6+$0x0] =	vst.idx.add.f32.msk $0xffff, v16  }
0xa7: {  	[tilespmem:v24+s6+$0x0] =	vst.idx.add.f32.msk $0xffff, v61  }
0xa8: {  	v16 =	vld [tilespmem:s18+$0xFFFFFFE0];
	_ =	sdelay $0x4  }
0xa9: {  	v62 =	vand.u32 $0xFFFF, v16  }
0xaa: {  	v16 =	vshrl.u32 v16, $0x10;
	_ =	sdelay $0x1  }
0xab: {  	v14 =	vmul.f32 v20, v14  }
0xac: {  	v15 =	vmul.f32 v20, v15  }
0xad: {  	[tilespmem:v62+s6+$0x0] =	vst.idx.add.f32.msk $0xffff, v14  }
0xae: {  	[tilespmem:v16+s6+$0x0] =	vst.idx.add.f32.msk $0xffff, v15  }
0xaf: {  	v14 =	vld [tilespmem:s18+$0xFFFFFFF0]  }
0xb0: {  	v63 =	vand.u32 $0xFFFF, v22  }
0xb1: {  	v22 =	vshrl.u32 v22, $0x10;
	_ =	sdelay $0x1  }
0xb2: {  	v23 =	vmul.f32 v12, v13  }
0xb3: {  	v19 =	vmul.f32 v12, v11;
	v24 =	vand.u32 $0xFFFF, v14  }
0xb4: {  	[tilespmem:v63+s6+$0x0] =	vst.idx.add.f32.msk $0xffff, v23;
	v14 =	vshrl.u32 v14, $0x10  }
0xb5: {  	[tilespmem:v22+s6+$0x0] =	vst.idx.add.f32.msk $0xffff, v19  }
0xb6: {  	v25 =	vmul.f32 v20, v13;
	v15 =	vld [tilespmem:s17+$0x0]  }
0xb7: {  	v26 =	vmul.f32 v20, v11  }
0xb8: {  	[tilespmem:v24+s6+$0x0] =	vst.idx.add.f32.msk $0xffff, v25  }
0xb9: {  	[tilespmem:v14+s6+$0x0] =	vst.idx.add.f32.msk $0xffff, v26  }
0xba: {  	v11 =	vld [tilespmem:s18+$0x0]  }
0xbb: {  	v27 =	vand.u32 $0xFFFF, v15  }
0xbc: {  	v28 =	vshrl.u32 v15, $0x10;
	_ =	sdelay $0x1  }
0xbd: {  	v29 =	vmul.f32 v12, v10  }
0xbe: {  	v31 =	vmul.f32 v12, v9;
	v30 =	vand.u32 $0xFFFF, v11  }
0xbf: {  	[tilespmem:v27+s6+$0x0] =	vst.idx.add.f32.msk $0xffff, v29;
	v11 =	vshrl.u32 v11, $0x10  }
0xc0: {  	[tilespmem:v28+s6+$0x0] =	vst.idx.add.f32.msk $0xffff, v31  }
0xc1: {  	v32 =	vmul.f32 v20, v10;
	v13 =	vld [tilespmem:s17+$0x10]  }
0xc2: {  	v33 =	vmul.f32 v20, v9  }
0xc3: {  	v34 =	vand.u32 $0xFFFF, v21;
	[tilespmem:v30+s6+$0x0] =	vst.idx.add.f32.msk $0xffff, v32  }
0xc4: {  	v35 =	vshrl.u32 v21, $0x10;
	[tilespmem:v11+s6+$0x0] =	vst.idx.add.f32.msk $0xffff, v33  }
0xc5: {  	v11 =	vld [tilespmem:s18+$0x10]  }
0xc6: {  	v36 =	vmul.f32 v6, v8;
	v37 =	vand.u32 $0xFFFF, v13  }
0xc7: {  	v38 =	vmul.f32 v6, v7;
	v13 =	vshrl.u32 v13, $0x10  }
0xc8: {  	[tilespmem:v34+s6+$0x0] =	vst.idx.add.f32.msk $0xffff, v36  }
0xc9: {  	v39 =	vmul.f32 v12, v8;
	[tilespmem:v35+s6+$0x0] =	vst.idx.add.f32.msk $0xffff, v38  }
0xca: {  	v41 =	vmul.f32 v12, v7;
	v14 =	vld [tilespmem:s16+$0x20];
	v40 =	vand.u32 $0xFFFF, v11  }
0xcb: {  	[tilespmem:v37+s6+$0x0] =	vst.idx.add.f32.msk $0xffff, v39;
	v11 =	vshrl.u32 v11, $0x10  }
0xcc: {  	[tilespmem:v13+s6+$0x0] =	vst.idx.add.f32.msk $0xffff, v41  }
0xcd: {  	v42 =	vmul.f32 v20, v8;
	v9 =	vld [tilespmem:s17+$0x20]  }
0xce: {  	v43 =	vmul.f32 v20, v7  }
0xcf: {  	[tilespmem:v40+s6+$0x0] =	vst.idx.add.f32.msk $0xffff, v42  }
0xd0: {  	v44 =	vand.u32 $0xFFFF, v14;
	[tilespmem:v11+s6+$0x0] =	vst.idx.add.f32.msk $0xffff, v43  }
0xd1: {  	v45 =	vshrl.u32 v14, $0x10;
	v10 =	vld [tilespmem:s18+$0x20]  }
0xd2: {  	v47 =	vand.u32 $0xFFFF, v9  }
0xd3: {  	v46 =	vmul.f32 v6, v4;
	v9 =	vshrl.u32 v9, $0x10  }
0xd4: {  	v48 =	vld [tilespmem:s15+$0x30];
	v49 =	vmul.f32 v6, v5  }
0xd5: {  	v50 =	vmul.f32 v12, v4;
	[tilespmem:v44+s6+$0x0] =	vst.idx.add.f32.msk $0xffff, v46  }
0xd6: {  	v52 =	vmul.f32 v12, v5;
	[tilespmem:v45+s6+$0x0] =	vst.idx.add.f32.msk $0xffff, v49;
	v51 =	vand.u32 $0xFFFF, v10  }
0xd7: {  	[tilespmem:v47+s6+$0x0] =	vst.idx.add.f32.msk $0xffff, v50;
	v10 =	vshrl.u32 v10, $0x10  }
0xd8: {  	[tilespmem:v9+s6+$0x0] =	vst.idx.add.f32.msk $0xffff, v52  }
0xd9: {  	v53 =	vmul.f32 v20, v4;
	v11 =	vld [tilespmem:s16+$0x30]  }
0xda: {  	v54 =	vmul.f32 v20, v5;
	v7 =	vld [tilespmem:s17+$0x30]  }
0xdb: {  	[tilespmem:v51+s6+$0x0] =	vst.idx.add.f32.msk $0xffff, v53  }
0xdc: {  	v55 =	vand.u32 $0xFFFF, v48;
	[tilespmem:v10+s6+$0x0] =	vst.idx.add.f32.msk $0xffff, v54  }
0xdd: {  	v56 =	vshrl.u32 v48, $0x10;
	v8 =	vld [tilespmem:s18+$0x30]  }
0xde: {  	v57 =	vand.u32 $0xFFFF, v11  }
0xdf: {  	v58 =	vmul.f32 v3, v2;
	v11 =	vshrl.u32 v11, $0x10  }
0xe0: {  	v3 =	vmul.f32 v3, v1;
	v59 =	vand.u32 $0xFFFF, v7  }
0xe1: {  	v60 =	vmul.f32 v6, v2;
	[tilespmem:v55+s6+$0x0] =	vst.idx.add.f32.msk $0xffff, v58;
	v7 =	vshrl.u32 v7, $0x10  }
0xe2: {  	[tilespmem:v56+s6+$0x0] =	vst.idx.add.f32.msk $0xffff, v3;
	v3 =	vmul.f32 v6, v1;
	v61 =	vand.u32 $0xFFFF, v8  }
0xe3: {  	v62 =	vmul.f32 v12, v2;
	[tilespmem:v57+s6+$0x0] =	vst.idx.add.f32.msk $0xffff, v60;
	v63 =	vshrl.u32 v8, $0x10  }
0xe4: {  	s30 =	sshll.u32 s14, $0x10;
	[tilespmem:v11+s6+$0x0] =	vst.idx.add.f32.msk $0xffff, v3;
	v3 =	vmul.f32 v12, v1  }
0xe5: {  	s15 =	sand.u32 $0x10000, s30;
	v2 =	vmul.f32 v20, v2;
	[tilespmem:v59+s6+$0x0] =	vst.idx.add.f32.msk $0xffff, v62  }
0xe6: {  	s15 =	sadd.s32 s15, s1;
	v1 =	vmul.f32 v20, v1;
	[tilespmem:v7+s6+$0x0] =	vst.idx.add.f32.msk $0xffff, v3  }
0xe7: {  	s31 =	sadd.s32 s2, s15;
	[tilespmem:v61+s6+$0x0] =	vst.idx.add.f32.msk $0xffff, v2  }
0xe8: {  	s16 =	sadd.s32 s3, s31;
	[tilespmem:v63+s6+$0x0] =	vst.idx.add.f32.msk $0xffff, v1  }
0xe9: {  	[spmem:s16] =	stream.strided.scatter [tilespmem:s6], [sflag:$0x1], $0x1000, s8, s7, $0x38;
	[tilespmem:$0x1C100] =	vst v63  }
0xea: {  	_ =	swait.ge [sflag:s9], $0x1000  }
0xeb: {  	[sflag:s9] =	ssyncset.done $0x0  }
0xec: {  	s16 =	simm.s32 $0x18140;
	[sflag:s9] =	ssyncadd.s32 $0xFFFFF000  }
0xed: {  	[tilespmem:s16+$0xFFFFFFC0] =	vst v0  }
0xee: {  	[tilespmem:s16+$0x30] =	vst v0  }
0xef: {  	[tilespmem:s16+$0x20] =	vst v0  }
0xf0: {  	[tilespmem:s16+$0x10] =	vst v0  }
0xf1: {  	[tilespmem:s16+$0x0] =	vst v0  }
0xf2: {  	[tilespmem:s16+$0xFFFFFFF0] =	vst v0  }
0xf3: {  	s17 =	simm.s32 $0x0;
	[tilespmem:s16+$0xFFFFFFE0] =	vst v0  }
.LBB2_6:
0xf4: {  	s17 =	sadd.s32 $0x8, s17;
	[tilespmem:s16+$0xFFFFFFD0] =	vst v0;
	s16 =	sadd.s32 $0x80, s16  }
0xf5: {  	[tilespmem:s16+$0xFFFFFFC0] =	vst v0;
	p1 =	slt.u32 s17, $0xF8  }
0xf6: {  	[tilespmem:s16+$0x30] =	vst v0  }
.Ltmp2:
0xf7: {  	[tilespmem:s16+$0x20] =	vst v0;
	(pc) =	sbr.rel @p1 .LBB2_6-.Ltmp2, $4  }
0xf8: {  	[tilespmem:s16+$0x10] =	vst v0  }
0xf9: {  	[tilespmem:s16+$0x0] =	vst v0  }
0xfa: {  	[tilespmem:s16+$0xFFFFFFF0] =	vst v0  }
0xfb: {  	[tilespmem:s16+$0xFFFFFFE0] =	vst v0  }
0xfc: {  	[tilespmem:s16+$0xFFFFFFD0] =	vst v0  }
0xfd: {  	s15 =	sadd.s32 s10, s15;
	[bflag:$0x0] =	sbarrier.arrive $0xFFFF  }
0xfe: {  	[tilespmem:s13], [sflag:$0x1] =	stream.strided.gather [spmem:s15], $0x1000, s12, s11, $0x38;
	[tilespmem:$0x1C100] =	vst v63  }
0xff: {  	s25 =	simm.s32 $0x0;
	_ =	swait.ge [sflag:s9], $0x1000  }
0x100: {  	s26 =	sand.u32 $0x70, s25;
	s15 =	sand.u32 $0x400, s25;
	[sflag:s9] =	ssyncset.done $0x0  }
0x101: {  	s15 =	sor.u32 s26, s15;
	[sflag:s9] =	ssyncadd.s32 $0xFFFFF000  }
0x102: {  	v1 =	vld [tilespmem:s15+$0x19100]  }
0x103: {  	v2 =	vld [tilespmem:s15+$0x19180]  }
0x104: {  	v3 =	vld [tilespmem:s15+$0x19200]  }
0x105: {  	v4 =	vld [tilespmem:s15+$0x19280]  }
0x106: {  	v5 =	vld [tilespmem:s15+$0x19300]  }
0x107: {  	v6 =	vld [tilespmem:s15+$0x19380]  }
0x108: {  	s28 =	simm.s32 $0x10;
	s17 =	simm.s32 $0x80;
	v7 =	vld [tilespmem:s15+$0x19400]  }
0x109: {  	s16 =	sand.u32 $0x70, s28;
	s17 =	sand.u32 $0x400, s17;
	v8 =	vld [tilespmem:s15+$0x19480]  }
0x10a: {  	s16 =	sor.u32 s16, s17;
	v9 =	vld [tilespmem:s15+$0x19980]  }
0x10b: {  	v11 =	vld [tilespmem:s16+$0x19180]  }
0x10c: {  	v1 =	vadd.f32 v2, v1;
	v2 =	vld [tilespmem:s16+$0x19100]  }
0x10d: {  	v10 =	vld [tilespmem:s15+$0x19900]  }
0x10e: {  	v12 =	vld [tilespmem:s16+$0x19200];
	v1 =	vadd.f32 v3, v1  }
0x10f: {  	v13 =	vld [tilespmem:s16+$0x19280]  }
0x110: {  	v59 =	vld [tilespmem:s16+$0x19380];
	v1 =	vadd.f32 v4, v1  }
0x111: {  	v60 =	vld [tilespmem:s16+$0x19400];
	v2 =	vadd.f32 v11, v2  }
0x112: {  	v11 =	vld [tilespmem:s16+$0x19300];
	v1 =	vadd.f32 v5, v1  }
0x113: {  	v61 =	vld [tilespmem:s16+$0x19900];
	v2 =	vadd.f32 v12, v2  }
0x114: {  	v3 =	vld [tilespmem:s15+$0x19A00];
	v1 =	vadd.f32 v6, v1  }
0x115: {  	v4 =	vld [tilespmem:s15+$0x19A80];
	v2 =	vadd.f32 v13, v2  }
0x116: {  	v5 =	vld [tilespmem:s15+$0x19B00];
	v1 =	vadd.f32 v7, v1  }
0x117: {  	v6 =	vld [tilespmem:s15+$0x19B80];
	v2 =	vadd.f32 v11, v2  }
0x118: {  	v11 =	vld [tilespmem:s16+$0x19480];
	v1 =	vadd.f32 v8, v1  }
0x119: {  	s29 =	simm.s32 $0x20;
	s30 =	simm.s32 $0x100;
	v7 =	vld [tilespmem:s15+$0x19C00];
	v2 =	vadd.f32 v59, v2  }
0x11a: {  	s17 =	sand.u32 $0x400, s30;
	v8 =	vld [tilespmem:s15+$0x19C80];
	s15 =	sand.u32 $0x70, s29;
	v1 =	vadd.f32 v10, v1  }
0x11b: {  	s15 =	sor.u32 s15, s17;
	v10 =	vld [tilespmem:s16+$0x19980];
	v2 =	vadd.f32 v60, v2  }
0x11c: {  	v62 =	vld [tilespmem:s15+$0x19180];
	v1 =	vadd.f32 v9, v1  }
0x11d: {  	v9 =	vld [tilespmem:s15+$0x19100];
	v2 =	vadd.f32 v11, v2  }
0x11e: {  	v1 =	vadd.f32 v3, v1;
	v3 =	vld [tilespmem:s16+$0x19A00]  }
0x11f: {  	v11 =	vld [tilespmem:s15+$0x19200];
	v2 =	vadd.f32 v61, v2  }
0x120: {  	v1 =	vadd.f32 v4, v1;
	v4 =	vld [tilespmem:s16+$0x19A80]  }
0x121: {  	v63 =	vld [tilespmem:s15+$0x19280];
	v2 =	vadd.f32 v10, v2  }
0x122: {  	v14 =	vld [tilespmem:s16+$0x19B00];
	v1 =	vadd.f32 v5, v1;
	v5 =	vadd.f32 v62, v9  }
0x123: {  	v9 =	vld [tilespmem:s15+$0x19300];
	v2 =	vadd.f32 v3, v2  }
0x124: {  	v10 =	vld [tilespmem:s16+$0x19B80];
	v1 =	vadd.f32 v6, v1;
	v5 =	vadd.f32 v11, v5  }
0x125: {  	v11 =	vld [tilespmem:s15+$0x19380];
	v4 =	vadd.f32 v4, v2  }
0x126: {  	v3 =	vadd.f32 v7, v1;
	v1 =	vld [tilespmem:s16+$0x19C00];
	v6 =	vadd.f32 v63, v5  }
0x127: {  	v5 =	vld [tilespmem:s15+$0x19400];
	v4 =	vadd.f32 v14, v4  }
0x128: {  	v2 =	vld [tilespmem:s16+$0x19C80];
	v7 =	vadd.f32 v8, v3;
	v8 =	vadd.f32 v9, v6  }
0x129: {  	s31 =	simm.s32 $0x30;
	s18 =	simm.s32 $0x180;
	v6 =	vld [tilespmem:s15+$0x19480]  }
0x12a: {  	s19 =	sand.u32 $0x400, s18;
	s17 =	sand.u32 $0x70, s31;
	s16 =	simm.s32 $0x18000;
	v3 =	vld [tilespmem:s15+$0x19980];
	v4 =	vadd.f32 v10, v4;
	v8 =	vadd.f32 v11, v8  }
0x12b: {  	s17 =	sor.u32 s17, s19;
	s19 =	simm.s32 $0x40;
	[tilespmem:s16+$0x0] =	vst v7;
	v7 =	vld [tilespmem:s15+$0x19900]  }
.LBB2_8:
0x12c: {  	p1 =	sne.s32 s19, $0xF0;
	v9 =	vld [tilespmem:s17+$0x19100];
	v5 =	vadd.f32 v5, v8;
	v1 =	vadd.f32 v1, v4  }
0x12d: {  	v4 =	vld [tilespmem:s17+$0x19180]  }
0x12e: {  	v5 =	vadd.f32 v6, v5;
	v6 =	vld [tilespmem:s15+$0x19A00];
	v1 =	vadd.f32 v2, v1  }
0x12f: {  	s16 =	sadd.s32 $0x10, s16;
	v2 =	vld [tilespmem:s17+$0x19200]  }
0x130: {  	v5 =	vadd.f32 v7, v5;
	v7 =	vld [tilespmem:s15+$0x19A80];
	[tilespmem:s16+$0x0] =	vst v1  }
0x131: {  	v1 =	vld [tilespmem:s17+$0x19280]  }
0x132: {  	v4 =	vadd.f32 v4, v9;
	v3 =	vadd.f32 v3, v5;
	v8 =	vld [tilespmem:s15+$0x19B00]  }
0x133: {  	v9 =	vld [tilespmem:s17+$0x19300]  }
0x134: {  	v2 =	vadd.f32 v2, v4;
	v3 =	vadd.f32 v6, v3;
	v4 =	vld [tilespmem:s15+$0x19B80]  }
0x135: {  	v10 =	vld [tilespmem:s17+$0x19380]  }
0x136: {  	v2 =	vadd.f32 v1, v2;
	v3 =	vadd.f32 v7, v3;
	v1 =	vld [tilespmem:s15+$0x19C00]  }
.Ltmp3:
0x137: {  	v5 =	vld [tilespmem:s17+$0x19400];
	(pc) =	sbr.rel @p1 .LBB2_8-.Ltmp3, $4  }
0x138: {  	v7 =	vadd.f32 v9, v2;
	v9 =	vadd.f32 v8, v3;
	v2 =	vld [tilespmem:s15+$0x19C80];
	s15 =	smov.u32 s17  }
0x139: {  	s18 =	sadd.s32 $0x80, s18;
	v6 =	vld [tilespmem:s15+$0x19480]  }
0x13a: {  	s20 =	sand.u32 $0x400, s18;
	s17 =	sand.u32 $0x70, s19;
	v8 =	vadd.f32 v10, v7;
	v3 =	vld [tilespmem:s15+$0x19980];
	v4 =	vadd.f32 v4, v9  }
0x13b: {  	s19 =	sadd.s32 $0x10, s19;
	s17 =	sor.u32 s17, s20;
	v7 =	vld [tilespmem:s15+$0x19900]  }
0x13c: {  	v9 =	vld [tilespmem:s17+$0x19100]  }
0x13d: {  	v10 =	vld [tilespmem:s17+$0x19180];
	_ =	sdelay $0x1  }
0x13e: {  	v11 =	vld [tilespmem:s17+$0x19200];
	_ =	sdelay $0x1  }
0x13f: {  	v12 =	vld [tilespmem:s17+$0x19280]  }
0x140: {  	v9 =	vadd.f32 v10, v9  }
0x141: {  	v45 =	vld [tilespmem:s17+$0x19300]  }
0x142: {  	v9 =	vadd.f32 v11, v9  }
0x143: {  	v46 =	vld [tilespmem:s17+$0x19380]  }
0x144: {  	v9 =	vadd.f32 v12, v9  }
0x145: {  	v47 =	vld [tilespmem:s17+$0x19400]  }
0x146: {  	v9 =	vadd.f32 v45, v9  }
0x147: {  	v48 =	vld [tilespmem:s17+$0x19480]  }
0x148: {  	v9 =	vadd.f32 v46, v9  }
0x149: {  	v5 =	vadd.f32 v5, v8;
	v49 =	vld [tilespmem:s17+$0x19900]  }
0x14a: {  	v9 =	vadd.f32 v47, v9  }
0x14b: {  	v50 =	vld [tilespmem:s17+$0x19980];
	v5 =	vadd.f32 v6, v5  }
0x14c: {  	v51 =	vld [tilespmem:s15+$0x19A00];
	v9 =	vadd.f32 v48, v9  }
0x14d: {  	v52 =	vld [tilespmem:s17+$0x19A00];
	v5 =	vadd.f32 v7, v5  }
0x14e: {  	v53 =	vld [tilespmem:s15+$0x19A80];
	v8 =	vadd.f32 v49, v9  }
0x14f: {  	v54 =	vld [tilespmem:s17+$0x19A80];
	v3 =	vadd.f32 v3, v5  }
0x150: {  	v55 =	vld [tilespmem:s15+$0x19B00];
	v6 =	vadd.f32 v50, v8  }
0x151: {  	v56 =	vld [tilespmem:s17+$0x19B00];
	v3 =	vadd.f32 v51, v3  }
0x152: {  	v57 =	vld [tilespmem:s15+$0x19B80];
	v6 =	vadd.f32 v52, v6  }
0x153: {  	v58 =	vld [tilespmem:s17+$0x19B80];
	v3 =	vadd.f32 v53, v3  }
0x154: {  	v59 =	vld [tilespmem:s15+$0x19C00];
	v5 =	vadd.f32 v54, v6  }
0x155: {  	v60 =	vld [tilespmem:s17+$0x19C00];
	v3 =	vadd.f32 v55, v3  }
0x156: {  	v61 =	vld [tilespmem:s15+$0x19C80];
	v5 =	vadd.f32 v56, v5  }
0x157: {  	v62 =	vld [tilespmem:s17+$0x19C80];
	v3 =	vadd.f32 v57, v3  }
0x158: {  	v1 =	vadd.f32 v1, v4;
	s14 =	sadd.s32 $0x1, s14;
	v63 =	vadd.f32 v58, v5  }
0x159: {  	p1 =	sne.s32 s14, $0x100;
	v3 =	vadd.f32 v59, v3  }
.Ltmp4:
0x15a: {  	v1 =	vadd.f32 v2, v1;
	v2 =	vadd.f32 v60, v63;
	(pc) =	sbr.rel @p1 .LBB2_3-.Ltmp4, $4  }
0x15b: {  	s31 =	sadd.s32 $0x10, s16;
	v3 =	vadd.f32 v61, v3  }
0x15c: {  	s15 =	sadd.s32 $0x10, s31;
	[tilespmem:s31+$0x0] =	vst v1;
	v1 =	vadd.f32 v62, v2  }
0x15d: {  	[tilespmem:s15+$0x0] =	vst v3;
	s15 =	sadd.s32 $0x10, s15  }
0x15e: {  	[tilespmem:s15+$0x0] =	vst v1  }
0x15f: {  	s1 =	simm.s32 $0x0;
	s2 =	simm.s32 $0x18000;
	s31 =	simm.s32 $0x1  }
0x160: {  	[hbm4b:s4+s1] =	stream.linear.scatter [tilespmem:s2], [sflag:$0x1], $0x100, $0x38;
	[tilespmem:$0x1C100] =	vst v63  }
0x161: {  	_ =	swait.ge [sflag:s31], $0x100  }
0x162: {  	[sflag:s31] =	ssyncset.done $0x0  }
0x163: {  	[sflag:s31] =	ssyncadd.s32 $0xFFFFFF00  }
0x164: {  	_ =	sfence.sel $0x180000  }
0x165: {  	[bflag:$0x0] =	sbarrier.arrive $0xFFFF  }
0x166: {  	_ =	strace $0x90000047  }
0x167: {  	s0 =	sadd.s32 @!p0 $0x100000, s0;
	[bflag:$0x2] =	sbarrier.arrive $0xFFFF  }
0x168: {  	[sflag:s0] =	ssyncadd.tile.s32 @!p0 $0x1;
	_ =	shalt  }
.Lfunc_end2:
_tile_overlayer_lowered:
.L_overlay_start_2:
0x169: {  	(tag) =	ssettag $0x2  }
0x16a: {  	s0 =	rddreg [dreg:$0x0];
	s2 =	stileid.u32  }
0x16b: {  	s1 =	rddreg [dreg:$0x1];
	p0 =	sne.s32 s2, $0x0  }
0x16c: {  	s3 =	rddreg [dreg:$0x2];
	[bflag:$0x3] =	sbarrier.arrive $0xFFFF;
	s2 =	simm.s32 @!p0 $0x1C01  }
0x16d: {  	[timem:s3], [sflag:s2] =	dma.local @!p0 [hbm:s0], s1  }
0x16e: {  	s0 =	simm.s32 @!p0 $0x1  }
0x16f: {  	_ =	swait.ge @!p0 [sflag:s0], s1  }
0x170: {  	s1 =	ssub.s32 @!p0 $0x0, s1;
	[sflag:s0] =	ssyncset.done @!p0 $0x0  }
0x171: {  	[sflag:s0] =	ssyncadd.s32 @!p0 s1  }
0x172: {  	[bflag:$0x3] =	sbarrier.arrive $0xFFFF  }
0x173: {  	_ =	shalt  }

</sc_bundles>
